<compile_context>
chip_gen: v7x
topology: tpu7x:2x2x1
jax: 0.10.2.dev20260603
libtpu: 0.0.44.dev20260713+nightly
codegen_flags: <defaults>
</compile_context>

<pallas_src>
import functools

import jax
import jax.numpy as jnp
from jax import lax
from jax.experimental import pallas as pl
from jax.experimental.pallas import tpu as pltpu
from jax.experimental.pallas import tpu_sc as plsc

N_NODES = 10000
N_EDGES = 320000
D = 128

NC = 2
NS = 16
NW = NC * NS
CHUNK = 128
NCHUNK = 80
HALF = NCHUNK // 2
EPW = NCHUNK * CHUNK
E_PAD = NW * EPW
NP = 10240
RPT = NP // NS
ONES_W = CHUNK
ZD_W = RPT


def _sc_agg_body(compute_deg, x_hbm, src_hbm, dst_hbm, *refs):
    if compute_deg:
        (agg_hbm, deg_hbm, src_v, dst_v, rows0_v, rows1_v, ones_v, zd_v,
         agg_sh, deg_sh, sem0, sem1, dsem) = refs
    else:
        agg_hbm, src_v, dst_v, rows0_v, rows1_v, agg_sh, sem0, sem1 = refs
    c = lax.axis_index("c")
    s = lax.axis_index("s")
    wid = c * NS + s
    base = s * RPT

    def _zrow(i, _):
        for j in range(D // 16):
            rows0_v[i, pl.ds(j * 16, 16)] = jnp.zeros((16,), jnp.float32)
        return 0
    lax.fori_loop(0, CHUNK, _zrow, 0)
    for k in range(RPT // CHUNK):
        pltpu.sync_copy(rows0_v, agg_sh.at[pl.ds(base + k * CHUNK, CHUNK)])
    if RPT % CHUNK:
        pltpu.sync_copy(
            rows0_v.at[pl.ds(0, RPT % CHUNK)],
            agg_sh.at[pl.ds(base + (RPT // CHUNK) * CHUNK, RPT % CHUNK)])
    if compute_deg:
        for j in range(ONES_W // 16):
            ones_v[pl.ds(j * 16, 16)] = jnp.ones((16,), jnp.float32)

        def _zd(i, _):
            zd_v[pl.ds(i * 16, 16)] = jnp.zeros((16,), jnp.float32)
            return 0
        lax.fori_loop(0, ZD_W // 16, _zd, 0)
        pltpu.sync_copy(zd_v.at[pl.ds(0, RPT)], deg_sh.at[pl.ds(base, RPT)])

    plsc.subcore_barrier()

    for h in range(NCHUNK // HALF):
        pltpu.sync_copy(src_hbm.at[wid, pl.ds(h * HALF, HALF)], src_v)
        pltpu.sync_copy(dst_hbm.at[wid, pl.ds(h * HALF, HALF)], dst_v)
        pltpu.async_copy(x_hbm.at[src_v.at[0]], rows0_v, sem0)
        pltpu.async_copy(x_hbm.at[src_v.at[1]], rows1_v, sem1)

        def _pair(i, _):
            j = i * 2
            for rows_v, sem, off in ((rows0_v, sem0, 0), (rows1_v, sem1, 1)):
                pltpu.make_async_copy(
                    x_hbm.at[src_v.at[j + off]], rows_v, sem).wait()
                if compute_deg:
                    pltpu.async_copy(ones_v, deg_sh.at[dst_v.at[j + off]],
                                     dsem, add=True)
                pltpu.sync_copy(rows_v, agg_sh.at[dst_v.at[j + off]], add=True)

                @pl.when(j + off + 2 < HALF)
                def _():
                    pltpu.async_copy(x_hbm.at[src_v.at[j + off + 2]], rows_v, sem)
            return 0
        lax.fori_loop(0, HALF // 2, _pair, 0)

        if compute_deg:
            def _dd(j, _):
                pltpu.make_async_copy(ones_v, deg_sh.at[dst_v.at[j]],
                                      dsem).wait()
                return 0
            lax.fori_loop(0, HALF, _dd, 0)

    plsc.subcore_barrier()
    pltpu.sync_copy(agg_sh.at[pl.ds(base, RPT)], agg_hbm.at[c, pl.ds(base, RPT)])
    if compute_deg:
        pltpu.sync_copy(deg_sh.at[pl.ds(base, RPT)],
                        deg_hbm.at[pl.ds(c * NP + base, RPT)])


def _make_sc_agg(compute_deg):
    out_type = [jax.ShapeDtypeStruct((NC, NP, D), jnp.float32)]
    if compute_deg:
        out_type.append(jax.ShapeDtypeStruct((NC * NP,), jnp.float32))
    scratch = [
        pltpu.VMEM((HALF, CHUNK), jnp.int32),
        pltpu.VMEM((HALF, CHUNK), jnp.int32),
        pltpu.VMEM((CHUNK, D), jnp.float32),
        pltpu.VMEM((CHUNK, D), jnp.float32),
    ]
    if compute_deg:
        scratch += [
            pltpu.VMEM((ONES_W,), jnp.float32),
            pltpu.VMEM((ZD_W,), jnp.float32),
        ]
    scratch += [pltpu.VMEM_SHARED((NP, D), jnp.float32)]
    if compute_deg:
        scratch += [pltpu.VMEM_SHARED((NP,), jnp.float32)]
    scratch += [pltpu.SemaphoreType.DMA] * (3 if compute_deg else 2)
    return pl.kernel(
        functools.partial(_sc_agg_body, compute_deg),
        out_type=out_type,
        mesh=plsc.VectorSubcoreMesh(
            core_axis_name="c", subcore_axis_name="s",
            num_cores=NC, num_subcores=NS,
        ),
        scratch_types=scratch,
    )


_TCB = 2048


def _tc_dense_body(relu, agg_ref, deg_ref, x_ref, wl_ref, bl_ref, wr_ref, o_ref):
    i = pl.program_id(0)
    d2 = deg_ref[:, pl.ds(i * _TCB, _TCB)]
    invd = 1.0 / jnp.maximum(d2[0] + d2[1], 1.0)
    mean = (agg_ref[0] + agg_ref[1]) * invd[:, None]
    acc = jnp.dot(mean, wl_ref[...], preferred_element_type=jnp.float32)
    acc += jnp.dot(x_ref[...], wr_ref[...], preferred_element_type=jnp.float32)
    acc += bl_ref[...]
    if relu:
        acc = jnp.maximum(acc, 0.0)
    o_ref[...] = acc


def _tc_dense(relu, agg, deg, x, wlT, bl, wrT):
    grid = -(-N_NODES // _TCB)
    return pl.pallas_call(
        functools.partial(_tc_dense_body, relu),
        grid=(grid,),
        in_specs=[
            pl.BlockSpec((NC, _TCB, D), lambda i: (0, i, 0)),
            pl.BlockSpec((NC, NP), lambda i: (0, 0)),
            pl.BlockSpec((_TCB, D), lambda i: (i, 0)),
            pl.BlockSpec((D, D), lambda i: (0, 0)),
            pl.BlockSpec((1, D), lambda i: (0, 0)),
            pl.BlockSpec((D, D), lambda i: (0, 0)),
        ],
        out_specs=pl.BlockSpec((_TCB, D), lambda i: (i, 0)),
        out_shape=jax.ShapeDtypeStruct((N_NODES, D), jnp.float32),
    )(agg, deg, x, wlT, bl, wrT)


def kernel(x, edge_index, W1l, b1l, W1r, W2l, b2l, W2r):
    ei = edge_index.astype(jnp.int32)
    npad = E_PAD - N_EDGES
    pad_src = jnp.arange(npad, dtype=jnp.int32) % N_NODES
    src = jnp.concatenate([ei[0], pad_src]).reshape(NW, NCHUNK, CHUNK)
    pad_dst = N_NODES + jnp.arange(npad, dtype=jnp.int32) % (NP - N_NODES)
    dst = jnp.concatenate([ei[1], pad_dst]).reshape(NW, NCHUNK, CHUNK)

    agg1, deg = _make_sc_agg(True)(x, src, dst)
    deg = deg.reshape(NC, NP)

    h = _tc_dense(True, agg1, deg, x, W1l.T, b1l.reshape(1, D), W1r.T)
    (agg2,) = _make_sc_agg(False)(h, src, dst)
    out = _tc_dense(False, agg2, deg, h, W2l.T, b2l.reshape(1, D), W2r.T)
    return out

# --- scband reference (transcript-rebuilt; emitter-appended) ---
"""Pipeline reference for scband-graph-sagemassive-72232759984911 (READ-ONLY COPY).

The authoritative reference and input builder live on the scoring server;
editing this copy changes nothing except your own understanding.
"""

import jax, jax.numpy as jnp
import numpy as np

N_NODES = 10000
N_EDGES = 320000
D_IN = 128
D_HID = 128
D_OUT = 128


def setup_inputs(seed: int = 0) -> dict:
    key = jax.random.key(seed)
    ks = jax.random.split(key, 8)
    x = jax.random.normal(ks[0], (N_NODES, D_IN), dtype=jnp.float32)
    edge_index = jax.random.randint(ks[1], (2, N_EDGES), 0, N_NODES, dtype=jnp.int64)
    s1 = 1.0 / np.sqrt(D_IN)
    s2 = 1.0 / np.sqrt(D_HID)
    W1l = jax.random.uniform(ks[2], (D_HID, D_IN), jnp.float32, -s1, s1)
    b1l = jax.random.uniform(ks[3], (D_HID,), jnp.float32, -s1, s1)
    W1r = jax.random.uniform(ks[4], (D_HID, D_IN), jnp.float32, -s1, s1)
    W2l = jax.random.uniform(ks[5], (D_OUT, D_HID), jnp.float32, -s2, s2)
    b2l = jax.random.uniform(ks[6], (D_OUT,), jnp.float32, -s2, s2)
    W2r = jax.random.uniform(ks[7], (D_OUT, D_HID), jnp.float32, -s2, s2)
    return {"x": x, "edge_index": edge_index, "W1l": W1l, "b1l": b1l, "W1r": W1r, "W2l": W2l, "b2l": b2l, "W2r": W2r}


def _sage_conv(x, edge_index, Wl, bl, Wr):
    # PyG-style SAGEConv with mean aggregation:
    # out = lin_l(mean_{j in N(i)} x_j) + lin_r(x_i)
    src = edge_index[0]
    dst = edge_index[1]
    msgs = jnp.take(x, src, axis=0)                       # gather  [E, d]
    agg = jax.ops.segment_sum(msgs, dst, num_segments=N_NODES)   # scatter-add
    deg = jax.ops.segment_sum(jnp.ones((edge_index.shape[1],), dtype=x.dtype), dst, num_segments=N_NODES)
    mean = agg / jnp.clip(deg, 1.0)[:, None]
    return mean @ Wl.T + bl + x @ Wr.T


def reference(x, edge_index, W1l, b1l, W1r, W2l, b2l, W2r):
    # eval mode: dropout is identity
    h = _sage_conv(x, edge_index, W1l, b1l, W1r)
    h = jax.nn.relu(h)
    out = _sage_conv(h, edge_index, W2l, b2l, W2r)
    return out

if __name__ == "__main__":
    import jax
    _d = setup_inputs()
    print(jax.jit(kernel)(*tuple(_d.values())))

</pallas_src>

<mosaic_0001>
#map = affine_map<(d0, d1) -> (0, 0)>
#map1 = affine_map<(d0, d1) -> (0, 0, 0)>
#map2 = affine_map<(d0, d1) -> (0)>
module attributes {stable_mosaic.version = 14 : i64} {
  func.func @_sc_agg_body(%arg0: i32, %arg1: i32, %arg2: memref<10000x128xf32, #tpu.memory_space<hbm>>, %arg3: memref<32x80x128xi32, #tpu.memory_space<hbm>>, %arg4: memref<32x80x128xi32, #tpu.memory_space<hbm>>, %arg5: memref<2x10240x128xf32, #tpu.memory_space<hbm>>, %arg6: memref<20480xf32, #tpu.memory_space<hbm>>, %arg7: memref<40x128xi32, #tpu.memory_space<vmem>>, %arg8: memref<40x128xi32, #tpu.memory_space<vmem>>, %arg9: memref<128x128xf32, #tpu.memory_space<vmem>>, %arg10: memref<128x128xf32, #tpu.memory_space<vmem>>, %arg11: memref<128xf32, #tpu.memory_space<vmem>>, %arg12: memref<640xf32, #tpu.memory_space<vmem>>, %arg13: memref<10240x128xf32, #tpu.memory_space<vmem_shared>>, %arg14: memref<10240xf32, #tpu.memory_space<vmem_shared>>, %arg15: memref<!tpu.dma_semaphore, #tpu.memory_space<semaphore_mem>>, %arg16: memref<!tpu.dma_semaphore, #tpu.memory_space<semaphore_mem>>, %arg17: memref<!tpu.dma_semaphore, #tpu.memory_space<semaphore_mem>>) attributes {dimension_semantics = [#tpu.dimension_semantics<core_parallel>, #tpu.dimension_semantics<subcore_parallel>], iteration_bounds = array<i64: 2, 16>, scalar_prefetch = 0 : i64, scratch_operands = 11 : i64, tpu.core_type = #tpu.core_type<sc_vector_subcore>, window_params = [{transform_indices = #map}, {transform_indices = #map1}, {transform_indices = #map1}, {transform_indices = #map1}, {transform_indices = #map2}]} {
    %mul3A = arith.constant 16 : i32
    %mul3A_0 = arith.muli %arg0, %mul3A : i32
    %add3A = arith.addi %mul3A_0, %arg1 : i32
    %mul3A_1 = arith.constant 640 : i32
    %mul3A_2 = arith.muli %arg1, %mul3A_1 : i32
    %scan3A = arith.constant 0 : i32
    %scan3A_3 = arith.constant 0 : i32
    %scan3A_4 = arith.constant 128 : i32
    %scan3A_5 = arith.addi %scan3A_3, %scan3A_4 : i32
    %scan3A_6 = arith.constant 1 : i32
    %scan3A_7 = scf.for %scan3A_131 = %scan3A_3 to %scan3A_5 step %scan3A_6 iter_args(%scan3A_132 = %scan3A) -> (i32)  : i32 {
      %broadcast_in_dim3A_133 = arith.constant 0.000000e+00 : f32
      %broadcast_in_dim3A_134 = vector.broadcast %broadcast_in_dim3A_133 : f32 to vector<16xf32>
      %swap3A_135 = arith.index_cast %scan3A_131 : i32 to index
      %swap3A_136 = arith.constant 0 : index
      %swap3A_137 = tpu.vector_load %arg9[%swap3A_135, %swap3A_136] {strides = array<i32>} : memref<128x128xf32, #tpu.memory_space<vmem>>, vector<1x16xf32>,
      %swap3A_138 = vector.shape_cast %swap3A_137 : vector<1x16xf32> to vector<16xf32>
      %swap3A_139 = vector.shape_cast %broadcast_in_dim3A_134 : vector<16xf32> to vector<1x16xf32>
      tpu.vector_store %arg9[%swap3A_135, %swap3A_136], %swap3A_139 {strides = array<i32>} : memref<128x128xf32, #tpu.memory_space<vmem>>, vector<1x16xf32>,
      %broadcast_in_dim3A_140 = arith.constant 0.000000e+00 : f32
      %broadcast_in_dim3A_141 = vector.broadcast %broadcast_in_dim3A_140 : f32 to vector<16xf32>
      %swap3A_142 = arith.index_cast %scan3A_131 : i32 to index
      %swap3A_143 = arith.constant 16 : index
      %swap3A_144 = tpu.vector_load %arg9[%swap3A_142, %swap3A_143] {strides = array<i32>} : memref<128x128xf32, #tpu.memory_space<vmem>>, vector<1x16xf32>,
      %swap3A_145 = vector.shape_cast %swap3A_144 : vector<1x16xf32> to vector<16xf32>
      %swap3A_146 = vector.shape_cast %broadcast_in_dim3A_141 : vector<16xf32> to vector<1x16xf32>
      tpu.vector_store %arg9[%swap3A_142, %swap3A_143], %swap3A_146 {strides = array<i32>} : memref<128x128xf32, #tpu.memory_space<vmem>>, vector<1x16xf32>,
      %broadcast_in_dim3A_147 = arith.constant 0.000000e+00 : f32
      %broadcast_in_dim3A_148 = vector.broadcast %broadcast_in_dim3A_147 : f32 to vector<16xf32>
      %swap3A_149 = arith.index_cast %scan3A_131 : i32 to index
      %swap3A_150 = arith.constant 32 : index
      %swap3A_151 = tpu.vector_load %arg9[%swap3A_149, %swap3A_150] {strides = array<i32>} : memref<128x128xf32, #tpu.memory_space<vmem>>, vector<1x16xf32>,
      %swap3A_152 = vector.shape_cast %swap3A_151 : vector<1x16xf32> to vector<16xf32>
      %swap3A_153 = vector.shape_cast %broadcast_in_dim3A_148 : vector<16xf32> to vector<1x16xf32>
      tpu.vector_store %arg9[%swap3A_149, %swap3A_150], %swap3A_153 {strides = array<i32>} : memref<128x128xf32, #tpu.memory_space<vmem>>, vector<1x16xf32>,
      %broadcast_in_dim3A_154 = arith.constant 0.000000e+00 : f32
      %broadcast_in_dim3A_155 = vector.broadcast %broadcast_in_dim3A_154 : f32 to vector<16xf32>
      %swap3A_156 = arith.index_cast %scan3A_131 : i32 to index
      %swap3A_157 = arith.constant 48 : index
      %swap3A_158 = tpu.vector_load %arg9[%swap3A_156, %swap3A_157] {strides = array<i32>} : memref<128x128xf32, #tpu.memory_space<vmem>>, vector<1x16xf32>,
      %swap3A_159 = vector.shape_cast %swap3A_158 : vector<1x16xf32> to vector<16xf32>
      %swap3A_160 = vector.shape_cast %broadcast_in_dim3A_155 : vector<16xf32> to vector<1x16xf32>
      tpu.vector_store %arg9[%swap3A_156, %swap3A_157], %swap3A_160 {strides = array<i32>} : memref<128x128xf32, #tpu.memory_space<vmem>>, vector<1x16xf32>,
      %broadcast_in_dim3A_161 = arith.constant 0.000000e+00 : f32
      %broadcast_in_dim3A_162 = vector.broadcast %broadcast_in_dim3A_161 : f32 to vector<16xf32>
      %swap3A_163 = arith.index_cast %scan3A_131 : i32 to index
      %swap3A_164 = arith.constant 64 : index
      %swap3A_165 = tpu.vector_load %arg9[%swap3A_163, %swap3A_164] {strides = array<i32>} : memref<128x128xf32, #tpu.memory_space<vmem>>, vector<1x16xf32>,
      %swap3A_166 = vector.shape_cast %swap3A_165 : vector<1x16xf32> to vector<16xf32>
      %swap3A_167 = vector.shape_cast %broadcast_in_dim3A_162 : vector<16xf32> to vector<1x16xf32>
      tpu.vector_store %arg9[%swap3A_163, %swap3A_164], %swap3A_167 {strides = array<i32>} : memref<128x128xf32, #tpu.memory_space<vmem>>, vector<1x16xf32>,
      %broadcast_in_dim3A_168 = arith.constant 0.000000e+00 : f32
      %broadcast_in_dim3A_169 = vector.broadcast %broadcast_in_dim3A_168 : f32 to vector<16xf32>
      %swap3A_170 = arith.index_cast %scan3A_131 : i32 to index
      %swap3A_171 = arith.constant 80 : index
      %swap3A_172 = tpu.vector_load %arg9[%swap3A_170, %swap3A_171] {strides = array<i32>} : memref<128x128xf32, #tpu.memory_space<vmem>>, vector<1x16xf32>,
      %swap3A_173 = vector.shape_cast %swap3A_172 : vector<1x16xf32> to vector<16xf32>
      %swap3A_174 = vector.shape_cast %broadcast_in_dim3A_169 : vector<16xf32> to vector<1x16xf32>
      tpu.vector_store %arg9[%swap3A_170, %swap3A_171], %swap3A_174 {strides = array<i32>} : memref<128x128xf32, #tpu.memory_space<vmem>>, vector<1x16xf32>,
      %broadcast_in_dim3A_175 = arith.constant 0.000000e+00 : f32
      %broadcast_in_dim3A_176 = vector.broadcast %broadcast_in_dim3A_175 : f32 to vector<16xf32>
      %swap3A_177 = arith.index_cast %scan3A_131 : i32 to index
      %swap3A_178 = arith.constant 96 : index
      %swap3A_179 = tpu.vector_load %arg9[%swap3A_177, %swap3A_178] {strides = array<i32>} : memref<128x128xf32, #tpu.memory_space<vmem>>, vector<1x16xf32>,
      %swap3A_180 = vector.shape_cast %swap3A_179 : vector<1x16xf32> to vector<16xf32>
      %swap3A_181 = vector.shape_cast %broadcast_in_dim3A_176 : vector<16xf32> to vector<1x16xf32>
      tpu.vector_store %arg9[%swap3A_177, %swap3A_178], %swap3A_181 {strides = array<i32>} : memref<128x128xf32, #tpu.memory_space<vmem>>, vector<1x16xf32>,
      %broadcast_in_dim3A_182 = arith.constant 0.000000e+00 : f32
      %broadcast_in_dim3A_183 = vector.broadcast %broadcast_in_dim3A_182 : f32 to vector<16xf32>
      %swap3A_184 = arith.index_cast %scan3A_131 : i32 to index
      %swap3A_185 = arith.constant 112 : index
      %swap3A_186 = tpu.vector_load %arg9[%swap3A_184, %swap3A_185] {strides = array<i32>} : memref<128x128xf32, #tpu.memory_space<vmem>>, vector<1x16xf32>,
      %swap3A_187 = vector.shape_cast %swap3A_186 : vector<1x16xf32> to vector<16xf32>
      %swap3A_188 = vector.shape_cast %broadcast_in_dim3A_183 : vector<16xf32> to vector<1x16xf32>
      tpu.vector_store %arg9[%swap3A_184, %swap3A_185], %swap3A_188 {strides = array<i32>} : memref<128x128xf32, #tpu.memory_space<vmem>>, vector<1x16xf32>,
      %scan3A_189 = arith.constant 0 : i32
      scf.yield %scan3A_189 : i32
    }
    %scan3A_8 = arith.constant 128 : i32
    %add3A_9 = arith.constant 0 : i32
    %add3A_10 = arith.addi %mul3A_2, %add3A_9 : i32
    "tpu.region"() ({
      %run_scoped3A = tpu.sem_alloc : memref<!tpu.dma_semaphore, #tpu.memory_space<semaphore_mem>>
      %dma_start3A_131 = arith.constant 0 : i32
      %dma_start3A_132 = tpu.memref_slice %arg13[%add3A_10, %dma_start3A_131] : memref<10240x128xf32, #tpu.memory_space<vmem_shared>> -> memref<128x128xf32, #tpu.memory_space<vmem_shared>>
      %dma_start3A_133 = arith.constant 0 : i32
      %dma_start3A_134 = tpu.memref_slice %arg13[%add3A_10, %dma_start3A_133] : memref<10240x128xf32, #tpu.memory_space<vmem_shared>> -> memref<128x128xf32, #tpu.memory_space<vmem_shared>>
      tpu.enqueue_dma source(%arg9 : memref<128x128xf32, #tpu.memory_space<vmem>>) target(%dma_start3A_134 : memref<128x128xf32, #tpu.memory_space<vmem_shared>>) target_semaphore(%run_scoped3A : memref<!tpu.dma_semaphore, #tpu.memory_space<semaphore_mem>>)
      %dma_wait3A = arith.constant 0 : i32
      %dma_wait3A_135 = tpu.memref_slice %arg13[%add3A_10, %dma_wait3A] : memref<10240x128xf32, #tpu.memory_space<vmem_shared>> -> memref<128x128xf32, #tpu.memory_space<vmem_shared>>
      %dma_wait3A_136 = arith.constant 0 : i32
      %dma_wait3A_137 = tpu.memref_slice %arg13[%add3A_10, %dma_wait3A_136] : memref<10240x128xf32, #tpu.memory_space<vmem_shared>> -> memref<128x128xf32, #tpu.memory_space<vmem_shared>>
      tpu.wait_dma2 semaphore(%run_scoped3A : memref<!tpu.dma_semaphore, #tpu.memory_space<semaphore_mem>>) src(%arg9 : memref<128x128xf32, #tpu.memory_space<vmem>>) dst(%dma_wait3A_137 : memref<128x128xf32, #tpu.memory_space<vmem_shared>>)
      tpu.yield
    }) : () -> ()
    %add3A_11 = arith.constant 128 : i32
    %add3A_12 = arith.addi %mul3A_2, %add3A_11 : i32
    "tpu.region"() ({
      %run_scoped3A = tpu.sem_alloc : memref<!tpu.dma_semaphore, #tpu.memory_space<semaphore_mem>>
      %dma_start3A_131 = arith.constant 0 : i32
      %dma_start3A_132 = tpu.memref_slice %arg13[%add3A_12, %dma_start3A_131] : memref<10240x128xf32, #tpu.memory_space<vmem_shared>> -> memref<128x128xf32, #tpu.memory_space<vmem_shared>>
      %dma_start3A_133 = arith.constant 0 : i32
      %dma_start3A_134 = tpu.memref_slice %arg13[%add3A_12, %dma_start3A_133] : memref<10240x128xf32, #tpu.memory_space<vmem_shared>> -> memref<128x128xf32, #tpu.memory_space<vmem_shared>>
      tpu.enqueue_dma source(%arg9 : memref<128x128xf32, #tpu.memory_space<vmem>>) target(%dma_start3A_134 : memref<128x128xf32, #tpu.memory_space<vmem_shared>>) target_semaphore(%run_scoped3A : memref<!tpu.dma_semaphore, #tpu.memory_space<semaphore_mem>>)
      %dma_wait3A = arith.constant 0 : i32
      %dma_wait3A_135 = tpu.memref_slice %arg13[%add3A_12, %dma_wait3A] : memref<10240x128xf32, #tpu.memory_space<vmem_shared>> -> memref<128x128xf32, #tpu.memory_space<vmem_shared>>
      %dma_wait3A_136 = arith.constant 0 : i32
      %dma_wait3A_137 = tpu.memref_slice %arg13[%add3A_12, %dma_wait3A_136] : memref<10240x128xf32, #tpu.memory_space<vmem_shared>> -> memref<128x128xf32, #tpu.memory_space<vmem_shared>>
      tpu.wait_dma2 semaphore(%run_scoped3A : memref<!tpu.dma_semaphore, #tpu.memory_space<semaphore_mem>>) src(%arg9 : memref<128x128xf32, #tpu.memory_space<vmem>>) dst(%dma_wait3A_137 : memref<128x128xf32, #tpu.memory_space<vmem_shared>>)
      tpu.yield
    }) : () -> ()
    %add3A_13 = arith.constant 256 : i32
    %add3A_14 = arith.addi %mul3A_2, %add3A_13 : i32
    "tpu.region"() ({
      %run_scoped3A = tpu.sem_alloc : memref<!tpu.dma_semaphore, #tpu.memory_space<semaphore_mem>>
      %dma_start3A_131 = arith.constant 0 : i32
      %dma_start3A_132 = tpu.memref_slice %arg13[%add3A_14, %dma_start3A_131] : memref<10240x128xf32, #tpu.memory_space<vmem_shared>> -> memref<128x128xf32, #tpu.memory_space<vmem_shared>>
      %dma_start3A_133 = arith.constant 0 : i32
      %dma_start3A_134 = tpu.memref_slice %arg13[%add3A_14, %dma_start3A_133] : memref<10240x128xf32, #tpu.memory_space<vmem_shared>> -> memref<128x128xf32, #tpu.memory_space<vmem_shared>>
      tpu.enqueue_dma source(%arg9 : memref<128x128xf32, #tpu.memory_space<vmem>>) target(%dma_start3A_134 : memref<128x128xf32, #tpu.memory_space<vmem_shared>>) target_semaphore(%run_scoped3A : memref<!tpu.dma_semaphore, #tpu.memory_space<semaphore_mem>>)
      %dma_wait3A = arith.constant 0 : i32
      %dma_wait3A_135 = tpu.memref_slice %arg13[%add3A_14, %dma_wait3A] : memref<10240x128xf32, #tpu.memory_space<vmem_shared>> -> memref<128x128xf32, #tpu.memory_space<vmem_shared>>
      %dma_wait3A_136 = arith.constant 0 : i32
      %dma_wait3A_137 = tpu.memref_slice %arg13[%add3A_14, %dma_wait3A_136] : memref<10240x128xf32, #tpu.memory_space<vmem_shared>> -> memref<128x128xf32, #tpu.memory_space<vmem_shared>>
      tpu.wait_dma2 semaphore(%run_scoped3A : memref<!tpu.dma_semaphore, #tpu.memory_space<semaphore_mem>>) src(%arg9 : memref<128x128xf32, #tpu.memory_space<vmem>>) dst(%dma_wait3A_137 : memref<128x128xf32, #tpu.memory_space<vmem_shared>>)
      tpu.yield
    }) : () -> ()
    %add3A_15 = arith.constant 384 : i32
    %add3A_16 = arith.addi %mul3A_2, %add3A_15 : i32
    "tpu.region"() ({
      %run_scoped3A = tpu.sem_alloc : memref<!tpu.dma_semaphore, #tpu.memory_space<semaphore_mem>>
      %dma_start3A_131 = arith.constant 0 : i32
      %dma_start3A_132 = tpu.memref_slice %arg13[%add3A_16, %dma_start3A_131] : memref<10240x128xf32, #tpu.memory_space<vmem_shared>> -> memref<128x128xf32, #tpu.memory_space<vmem_shared>>
      %dma_start3A_133 = arith.constant 0 : i32
      %dma_start3A_134 = tpu.memref_slice %arg13[%add3A_16, %dma_start3A_133] : memref<10240x128xf32, #tpu.memory_space<vmem_shared>> -> memref<128x128xf32, #tpu.memory_space<vmem_shared>>
      tpu.enqueue_dma source(%arg9 : memref<128x128xf32, #tpu.memory_space<vmem>>) target(%dma_start3A_134 : memref<128x128xf32, #tpu.memory_space<vmem_shared>>) target_semaphore(%run_scoped3A : memref<!tpu.dma_semaphore, #tpu.memory_space<semaphore_mem>>)
      %dma_wait3A = arith.constant 0 : i32
      %dma_wait3A_135 = tpu.memref_slice %arg13[%add3A_16, %dma_wait3A] : memref<10240x128xf32, #tpu.memory_space<vmem_shared>> -> memref<128x128xf32, #tpu.memory_space<vmem_shared>>
      %dma_wait3A_136 = arith.constant 0 : i32
      %dma_wait3A_137 = tpu.memref_slice %arg13[%add3A_16, %dma_wait3A_136] : memref<10240x128xf32, #tpu.memory_space<vmem_shared>> -> memref<128x128xf32, #tpu.memory_space<vmem_shared>>
      tpu.wait_dma2 semaphore(%run_scoped3A : memref<!tpu.dma_semaphore, #tpu.memory_space<semaphore_mem>>) src(%arg9 : memref<128x128xf32, #tpu.memory_space<vmem>>) dst(%dma_wait3A_137 : memref<128x128xf32, #tpu.memory_space<vmem_shared>>)
      tpu.yield
    }) : () -> ()
    %add3A_17 = arith.constant 512 : i32
    %add3A_18 = arith.addi %mul3A_2, %add3A_17 : i32
    "tpu.region"() ({
      %run_scoped3A = tpu.sem_alloc : memref<!tpu.dma_semaphore, #tpu.memory_space<semaphore_mem>>
      %dma_start3A_131 = arith.constant 0 : i32
      %dma_start3A_132 = tpu.memref_slice %arg13[%add3A_18, %dma_start3A_131] : memref<10240x128xf32, #tpu.memory_space<vmem_shared>> -> memref<128x128xf32, #tpu.memory_space<vmem_shared>>
      %dma_start3A_133 = arith.constant 0 : i32
      %dma_start3A_134 = tpu.memref_slice %arg13[%add3A_18, %dma_start3A_133] : memref<10240x128xf32, #tpu.memory_space<vmem_shared>> -> memref<128x128xf32, #tpu.memory_space<vmem_shared>>
      tpu.enqueue_dma source(%arg9 : memref<128x128xf32, #tpu.memory_space<vmem>>) target(%dma_start3A_134 : memref<128x128xf32, #tpu.memory_space<vmem_shared>>) target_semaphore(%run_scoped3A : memref<!tpu.dma_semaphore, #tpu.memory_space<semaphore_mem>>)
      %dma_wait3A = arith.constant 0 : i32
      %dma_wait3A_135 = tpu.memref_slice %arg13[%add3A_18, %dma_wait3A] : memref<10240x128xf32, #tpu.memory_space<vmem_shared>> -> memref<128x128xf32, #tpu.memory_space<vmem_shared>>
      %dma_wait3A_136 = arith.constant 0 : i32
      %dma_wait3A_137 = tpu.memref_slice %arg13[%add3A_18, %dma_wait3A_136] : memref<10240x128xf32, #tpu.memory_space<vmem_shared>> -> memref<128x128xf32, #tpu.memory_space<vmem_shared>>
      tpu.wait_dma2 semaphore(%run_scoped3A : memref<!tpu.dma_semaphore, #tpu.memory_space<semaphore_mem>>) src(%arg9 : memref<128x128xf32, #tpu.memory_space<vmem>>) dst(%dma_wait3A_137 : memref<128x128xf32, #tpu.memory_space<vmem_shared>>)
      tpu.yield
    }) : () -> ()
    %broadcast_in_dim3A = arith.constant 1.000000e+00 : f32
    %broadcast_in_dim3A_19 = vector.broadcast %broadcast_in_dim3A : f32 to vector<16xf32>
    %swap3A = arith.constant 0 : index
    %swap3A_20 = tpu.vector_load %arg11[%swap3A] {strides = array<i32>} : memref<128xf32, #tpu.memory_space<vmem>>, vector<16xf32>,
    %swap3A_21 = vector.shape_cast %swap3A_20 : vector<16xf32> to vector<16xf32>
    %swap3A_22 = vector.shape_cast %broadcast_in_dim3A_19 : vector<16xf32> to vector<16xf32>
    tpu.vector_store %arg11[%swap3A], %swap3A_22 {strides = array<i32>} : memref<128xf32, #tpu.memory_space<vmem>>, vector<16xf32>,
    %broadcast_in_dim3A_23 = arith.constant 1.000000e+00 : f32
    %broadcast_in_dim3A_24 = vector.broadcast %broadcast_in_dim3A_23 : f32 to vector<16xf32>
    %swap3A_25 = arith.constant 16 : index
    %swap3A_26 = tpu.vector_load %arg11[%swap3A_25] {strides = array<i32>} : memref<128xf32, #tpu.memory_space<vmem>>, vector<16xf32>,
    %swap3A_27 = vector.shape_cast %swap3A_26 : vector<16xf32> to vector<16xf32>
    %swap3A_28 = vector.shape_cast %broadcast_in_dim3A_24 : vector<16xf32> to vector<16xf32>
    tpu.vector_store %arg11[%swap3A_25], %swap3A_28 {strides = array<i32>} : memref<128xf32, #tpu.memory_space<vmem>>, vector<16xf32>,
    %broadcast_in_dim3A_29 = arith.constant 1.000000e+00 : f32
    %broadcast_in_dim3A_30 = vector.broadcast %broadcast_in_dim3A_29 : f32 to vector<16xf32>
    %swap3A_31 = arith.constant 32 : index
    %swap3A_32 = tpu.vector_load %arg11[%swap3A_31] {strides = array<i32>} : memref<128xf32, #tpu.memory_space<vmem>>, vector<16xf32>,
    %swap3A_33 = vector.shape_cast %swap3A_32 : vector<16xf32> to vector<16xf32>
    %swap3A_34 = vector.shape_cast %broadcast_in_dim3A_30 : vector<16xf32> to vector<16xf32>
    tpu.vector_store %arg11[%swap3A_31], %swap3A_34 {strides = array<i32>} : memref<128xf32, #tpu.memory_space<vmem>>, vector<16xf32>,
    %broadcast_in_dim3A_35 = arith.constant 1.000000e+00 : f32
    %broadcast_in_dim3A_36 = vector.broadcast %broadcast_in_dim3A_35 : f32 to vector<16xf32>
    %swap3A_37 = arith.constant 48 : index
    %swap3A_38 = tpu.vector_load %arg11[%swap3A_37] {strides = array<i32>} : memref<128xf32, #tpu.memory_space<vmem>>, vector<16xf32>,
    %swap3A_39 = vector.shape_cast %swap3A_38 : vector<16xf32> to vector<16xf32>
    %swap3A_40 = vector.shape_cast %broadcast_in_dim3A_36 : vector<16xf32> to vector<16xf32>
    tpu.vector_store %arg11[%swap3A_37], %swap3A_40 {strides = array<i32>} : memref<128xf32, #tpu.memory_space<vmem>>, vector<16xf32>,
    %broadcast_in_dim3A_41 = arith.constant 1.000000e+00 : f32
    %broadcast_in_dim3A_42 = vector.broadcast %broadcast_in_dim3A_41 : f32 to vector<16xf32>
    %swap3A_43 = arith.constant 64 : index
    %swap3A_44 = tpu.vector_load %arg11[%swap3A_43] {strides = array<i32>} : memref<128xf32, #tpu.memory_space<vmem>>, vector<16xf32>,
    %swap3A_45 = vector.shape_cast %swap3A_44 : vector<16xf32> to vector<16xf32>
    %swap3A_46 = vector.shape_cast %broadcast_in_dim3A_42 : vector<16xf32> to vector<16xf32>
    tpu.vector_store %arg11[%swap3A_43], %swap3A_46 {strides = array<i32>} : memref<128xf32, #tpu.memory_space<vmem>>, vector<16xf32>,
    %broadcast_in_dim3A_47 = arith.constant 1.000000e+00 : f32
    %broadcast_in_dim3A_48 = vector.broadcast %broadcast_in_dim3A_47 : f32 to vector<16xf32>
    %swap3A_49 = arith.constant 80 : index
    %swap3A_50 = tpu.vector_load %arg11[%swap3A_49] {strides = array<i32>} : memref<128xf32, #tpu.memory_space<vmem>>, vector<16xf32>,
    %swap3A_51 = vector.shape_cast %swap3A_50 : vector<16xf32> to vector<16xf32>
    %swap3A_52 = vector.shape_cast %broadcast_in_dim3A_48 : vector<16xf32> to vector<16xf32>
    tpu.vector_store %arg11[%swap3A_49], %swap3A_52 {strides = array<i32>} : memref<128xf32, #tpu.memory_space<vmem>>, vector<16xf32>,
    %broadcast_in_dim3A_53 = arith.constant 1.000000e+00 : f32
    %broadcast_in_dim3A_54 = vector.broadcast %broadcast_in_dim3A_53 : f32 to vector<16xf32>
    %swap3A_55 = arith.constant 96 : index
    %swap3A_56 = tpu.vector_load %arg11[%swap3A_55] {strides = array<i32>} : memref<128xf32, #tpu.memory_space<vmem>>, vector<16xf32>,
    %swap3A_57 = vector.shape_cast %swap3A_56 : vector<16xf32> to vector<16xf32>
    %swap3A_58 = vector.shape_cast %broadcast_in_dim3A_54 : vector<16xf32> to vector<16xf32>
    tpu.vector_store %arg11[%swap3A_55], %swap3A_58 {strides = array<i32>} : memref<128xf32, #tpu.memory_space<vmem>>, vector<16xf32>,
    %broadcast_in_dim3A_59 = arith.constant 1.000000e+00 : f32
    %broadcast_in_dim3A_60 = vector.broadcast %broadcast_in_dim3A_59 : f32 to vector<16xf32>
    %swap3A_61 = arith.constant 112 : index
    %swap3A_62 = tpu.vector_load %arg11[%swap3A_61] {strides = array<i32>} : memref<128xf32, #tpu.memory_space<vmem>>, vector<16xf32>,
    %swap3A_63 = vector.shape_cast %swap3A_62 : vector<16xf32> to vector<16xf32>
    %swap3A_64 = vector.shape_cast %broadcast_in_dim3A_60 : vector<16xf32> to vector<16xf32>
    tpu.vector_store %arg11[%swap3A_61], %swap3A_64 {strides = array<i32>} : memref<128xf32, #tpu.memory_space<vmem>>, vector<16xf32>,
    %scan3A_65 = arith.constant 0 : i32
    %scan3A_66 = arith.constant 0 : i32
    %scan3A_67 = arith.constant 40 : i32
    %scan3A_68 = arith.addi %scan3A_66, %scan3A_67 : i32
    %scan3A_69 = arith.constant 1 : i32
    %scan3A_70 = scf.for %scan3A_131 = %scan3A_66 to %scan3A_68 step %scan3A_69 iter_args(%scan3A_132 = %scan3A_65) -> (i32)  : i32 {
      %broadcast_in_dim3A_133 = arith.constant 0.000000e+00 : f32
      %broadcast_in_dim3A_134 = vector.broadcast %broadcast_in_dim3A_133 : f32 to vector<16xf32>
      %mul3A_135 = arith.constant 16 : i32
      %mul3A_136 = arith.muli %scan3A_131, %mul3A_135 : i32
      %swap3A_137 = arith.index_cast %mul3A_136 : i32 to index
      %swap3A_138 = tpu.vector_load %arg12[%swap3A_137] {strides = array<i32>} : memref<640xf32, #tpu.memory_space<vmem>>, vector<16xf32>,
      %swap3A_139 = vector.shape_cast %swap3A_138 : vector<16xf32> to vector<16xf32>
      %swap3A_140 = vector.shape_cast %broadcast_in_dim3A_134 : vector<16xf32> to vector<16xf32>
      tpu.vector_store %arg12[%swap3A_137], %swap3A_140 {strides = array<i32>} : memref<640xf32, #tpu.memory_space<vmem>>, vector<16xf32>,
      %scan3A_141 = arith.constant 0 : i32
      scf.yield %scan3A_141 : i32
    }
    %scan3A_71 = arith.constant 40 : i32
    "tpu.region"() ({
      %run_scoped3A = tpu.sem_alloc : memref<!tpu.dma_semaphore, #tpu.memory_space<semaphore_mem>>
      %dma_start3A_131 = arith.constant 0 : i32
      %dma_start3A_132 = tpu.memref_slice %arg12[%dma_start3A_131] : memref<640xf32, #tpu.memory_space<vmem>> -> memref<640xf32, #tpu.memory_space<vmem>>
      %dma_start3A_133 = tpu.memref_slice %arg14[%mul3A_2] : memref<10240xf32, #tpu.memory_space<vmem_shared>> -> memref<640xf32, #tpu.memory_space<vmem_shared>>
      %dma_start3A_134 = tpu.memref_slice %arg14[%mul3A_2] : memref<10240xf32, #tpu.memory_space<vmem_shared>> -> memref<640xf32, #tpu.memory_space<vmem_shared>>
      %dma_start3A_135 = arith.constant 0 : i32
      %dma_start3A_136 = tpu.memref_slice %arg12[%dma_start3A_135] : memref<640xf32, #tpu.memory_space<vmem>> -> memref<640xf32, #tpu.memory_space<vmem>>
      tpu.enqueue_dma source(%dma_start3A_136 : memref<640xf32, #tpu.memory_space<vmem>>) target(%dma_start3A_134 : memref<640xf32, #tpu.memory_space<vmem_shared>>) target_semaphore(%run_scoped3A : memref<!tpu.dma_semaphore, #tpu.memory_space<semaphore_mem>>)
      %dma_wait3A = arith.constant 0 : i32
      %dma_wait3A_137 = tpu.memref_slice %arg12[%dma_wait3A] : memref<640xf32, #tpu.memory_space<vmem>> -> memref<640xf32, #tpu.memory_space<vmem>>
      %dma_wait3A_138 = tpu.memref_slice %arg14[%mul3A_2] : memref<10240xf32, #tpu.memory_space<vmem_shared>> -> memref<640xf32, #tpu.memory_space<vmem_shared>>
      %dma_wait3A_139 = tpu.memref_slice %arg14[%mul3A_2] : memref<10240xf32, #tpu.memory_space<vmem_shared>> -> memref<640xf32, #tpu.memory_space<vmem_shared>>
      %dma_wait3A_140 = arith.constant 0 : i32
      %dma_wait3A_141 = tpu.memref_slice %arg12[%dma_wait3A_140] : memref<640xf32, #tpu.memory_space<vmem>> -> memref<640xf32, #tpu.memory_space<vmem>>
      tpu.wait_dma2 semaphore(%run_scoped3A : memref<!tpu.dma_semaphore, #tpu.memory_space<semaphore_mem>>) src(%dma_wait3A_141 : memref<640xf32, #tpu.memory_space<vmem>>) dst(%dma_wait3A_139 : memref<640xf32, #tpu.memory_space<vmem_shared>>)
      tpu.yield
    }) : () -> ()
    %barrier3A = arith.constant 0 : index
    tpu.barrier barrier_id(%barrier3A)
    "tpu.region"() ({
      %run_scoped3A = tpu.sem_alloc : memref<!tpu.dma_semaphore, #tpu.memory_space<semaphore_mem>>
      %dma_start3A_131 = arith.constant 0 : i32
      %dma_start3A_132 = arith.constant 0 : i32
      %dma_start3A_133 = tpu.memref_slice %arg3[%add3A, %dma_start3A_131, %dma_start3A_132] : memref<32x80x128xi32, #tpu.memory_space<hbm>> -> memref<1x40x128xi32, #tpu.memory_space<hbm>>
      %dma_start3A_134 = tpu.memref_squeeze %dma_start3A_133 : memref<1x40x128xi32, #tpu.memory_space<hbm>> -> memref<40x128xi32, #tpu.memory_space<hbm>>
      %dma_start3A_135 = arith.constant 0 : i32
      %dma_start3A_136 = arith.constant 0 : i32
      %dma_start3A_137 = tpu.memref_slice %arg3[%add3A, %dma_start3A_135, %dma_start3A_136] : memref<32x80x128xi32, #tpu.memory_space<hbm>> -> memref<1x40x128xi32, #tpu.memory_space<hbm>>
      %dma_start3A_138 = tpu.memref_squeeze %dma_start3A_137 : memref<1x40x128xi32, #tpu.memory_space<hbm>> -> memref<40x128xi32, #tpu.memory_space<hbm>>
      tpu.enqueue_dma source(%dma_start3A_138 : memref<40x128xi32, #tpu.memory_space<hbm>>) target(%arg7 : memref<40x128xi32, #tpu.memory_space<vmem>>) target_semaphore(%run_scoped3A : memref<!tpu.dma_semaphore, #tpu.memory_space<semaphore_mem>>)
      %dma_wait3A = arith.constant 0 : i32
      %dma_wait3A_139 = arith.constant 0 : i32
      %dma_wait3A_140 = tpu.memref_slice %arg3[%add3A, %dma_wait3A, %dma_wait3A_139] : memref<32x80x128xi32, #tpu.memory_space<hbm>> -> memref<1x40x128xi32, #tpu.memory_space<hbm>>
      %dma_wait3A_141 = tpu.memref_squeeze %dma_wait3A_140 : memref<1x40x128xi32, #tpu.memory_space<hbm>> -> memref<40x128xi32, #tpu.memory_space<hbm>>
      %dma_wait3A_142 = arith.constant 0 : i32
      %dma_wait3A_143 = arith.constant 0 : i32
      %dma_wait3A_144 = tpu.memref_slice %arg3[%add3A, %dma_wait3A_142, %dma_wait3A_143] : memref<32x80x128xi32, #tpu.memory_space<hbm>> -> memref<1x40x128xi32, #tpu.memory_space<hbm>>
      %dma_wait3A_145 = tpu.memref_squeeze %dma_wait3A_144 : memref<1x40x128xi32, #tpu.memory_space<hbm>> -> memref<40x128xi32, #tpu.memory_space<hbm>>
      tpu.wait_dma2 semaphore(%run_scoped3A : memref<!tpu.dma_semaphore, #tpu.memory_space<semaphore_mem>>) src(%dma_wait3A_145 : memref<40x128xi32, #tpu.memory_space<hbm>>) dst(%arg7 : memref<40x128xi32, #tpu.memory_space<vmem>>)
      tpu.yield
    }) : () -> ()
    "tpu.region"() ({
      %run_scoped3A = tpu.sem_alloc : memref<!tpu.dma_semaphore, #tpu.memory_space<semaphore_mem>>
      %dma_start3A_131 = arith.constant 0 : i32
      %dma_start3A_132 = arith.constant 0 : i32
      %dma_start3A_133 = tpu.memref_slice %arg4[%add3A, %dma_start3A_131, %dma_start3A_132] : memref<32x80x128xi32, #tpu.memory_space<hbm>> -> memref<1x40x128xi32, #tpu.memory_space<hbm>>
      %dma_start3A_134 = tpu.memref_squeeze %dma_start3A_133 : memref<1x40x128xi32, #tpu.memory_space<hbm>> -> memref<40x128xi32, #tpu.memory_space<hbm>>
      %dma_start3A_135 = arith.constant 0 : i32
      %dma_start3A_136 = arith.constant 0 : i32
      %dma_start3A_137 = tpu.memref_slice %arg4[%add3A, %dma_start3A_135, %dma_start3A_136] : memref<32x80x128xi32, #tpu.memory_space<hbm>> -> memref<1x40x128xi32, #tpu.memory_space<hbm>>
      %dma_start3A_138 = tpu.memref_squeeze %dma_start3A_137 : memref<1x40x128xi32, #tpu.memory_space<hbm>> -> memref<40x128xi32, #tpu.memory_space<hbm>>
      tpu.enqueue_dma source(%dma_start3A_138 : memref<40x128xi32, #tpu.memory_space<hbm>>) target(%arg8 : memref<40x128xi32, #tpu.memory_space<vmem>>) target_semaphore(%run_scoped3A : memref<!tpu.dma_semaphore, #tpu.memory_space<semaphore_mem>>)
      %dma_wait3A = arith.constant 0 : i32
      %dma_wait3A_139 = arith.constant 0 : i32
      %dma_wait3A_140 = tpu.memref_slice %arg4[%add3A, %dma_wait3A, %dma_wait3A_139] : memref<32x80x128xi32, #tpu.memory_space<hbm>> -> memref<1x40x128xi32, #tpu.memory_space<hbm>>
      %dma_wait3A_141 = tpu.memref_squeeze %dma_wait3A_140 : memref<1x40x128xi32, #tpu.memory_space<hbm>> -> memref<40x128xi32, #tpu.memory_space<hbm>>
      %dma_wait3A_142 = arith.constant 0 : i32
      %dma_wait3A_143 = arith.constant 0 : i32
      %dma_wait3A_144 = tpu.memref_slice %arg4[%add3A, %dma_wait3A_142, %dma_wait3A_143] : memref<32x80x128xi32, #tpu.memory_space<hbm>> -> memref<1x40x128xi32, #tpu.memory_space<hbm>>
      %dma_wait3A_145 = tpu.memref_squeeze %dma_wait3A_144 : memref<1x40x128xi32, #tpu.memory_space<hbm>> -> memref<40x128xi32, #tpu.memory_space<hbm>>
      tpu.wait_dma2 semaphore(%run_scoped3A : memref<!tpu.dma_semaphore, #tpu.memory_space<semaphore_mem>>) src(%dma_wait3A_145 : memref<40x128xi32, #tpu.memory_space<hbm>>) dst(%arg8 : memref<40x128xi32, #tpu.memory_space<vmem>>)
      tpu.yield
    }) : () -> ()
    %dma_start3A = arith.constant 0 : i32
    %dma_start3A_72 = arith.constant 0 : i32
    %dma_start3A_73 = tpu.memref_slice %arg7[%dma_start3A, %dma_start3A_72] : memref<40x128xi32, #tpu.memory_space<vmem>> -> memref<1x128xi32, #tpu.memory_space<vmem>>
    %dma_start3A_74 = tpu.memref_squeeze %dma_start3A_73 : memref<1x128xi32, #tpu.memory_space<vmem>> -> memref<128xi32, #tpu.memory_space<vmem>>
    %dma_start3A_75 = arith.constant 0 : i32
    %dma_start3A_76 = arith.constant 0 : i32
    %dma_start3A_77 = tpu.memref_slice %arg2[%dma_start3A_75, %dma_start3A_76] : memref<10000x128xf32, #tpu.memory_space<hbm>> -> memref<10000x128xf32, #tpu.memory_space<hbm>>
    tpu.enqueue_indirect_dma source(%dma_start3A_77 : memref<10000x128xf32, #tpu.memory_space<hbm>>) target(%arg9 : memref<128x128xf32, #tpu.memory_space<vmem>>) offsets(%dma_start3A_74 : memref<128xi32, #tpu.memory_space<vmem>>) semaphore(%arg15 : memref<!tpu.dma_semaphore, #tpu.memory_space<semaphore_mem>>)
    %dma_start3A_78 = arith.constant 1 : i32
    %dma_start3A_79 = arith.constant 0 : i32
    %dma_start3A_80 = tpu.memref_slice %arg7[%dma_start3A_78, %dma_start3A_79] : memref<40x128xi32, #tpu.memory_space<vmem>> -> memref<1x128xi32, #tpu.memory_space<vmem>>
    %dma_start3A_81 = tpu.memref_squeeze %dma_start3A_80 : memref<1x128xi32, #tpu.memory_space<vmem>> -> memref<128xi32, #tpu.memory_space<vmem>>
    %dma_start3A_82 = arith.constant 0 : i32
    %dma_start3A_83 = arith.constant 0 : i32
    %dma_start3A_84 = tpu.memref_slice %arg2[%dma_start3A_82, %dma_start3A_83] : memref<10000x128xf32, #tpu.memory_space<hbm>> -> memref<10000x128xf32, #tpu.memory_space<hbm>>
    tpu.enqueue_indirect_dma source(%dma_start3A_84 : memref<10000x128xf32, #tpu.memory_space<hbm>>) target(%arg10 : memref<128x128xf32, #tpu.memory_space<vmem>>) offsets(%dma_start3A_81 : memref<128xi32, #tpu.memory_space<vmem>>) semaphore(%arg16 : memref<!tpu.dma_semaphore, #tpu.memory_space<semaphore_mem>>)
    %scan3A_85 = arith.constant 0 : i32
    %scan3A_86 = arith.constant 0 : i32
    %scan3A_87 = arith.constant 20 : i32
    %scan3A_88 = arith.addi %scan3A_86, %scan3A_87 : i32
    %scan3A_89 = arith.constant 1 : i32
    %scan3A_90 = scf.for %scan3A_131 = %scan3A_86 to %scan3A_88 step %scan3A_89 iter_args(%scan3A_132 = %scan3A_85) -> (i32)  : i32 {
      %mul3A_133 = arith.constant 2 : i32
      %mul3A_134 = arith.muli %scan3A_131, %mul3A_133 : i32
      %add3A_135 = arith.constant 0 : i32
      %add3A_136 = arith.addi %mul3A_134, %add3A_135 : i32
      %dma_wait3A = arith.constant 0 : i32
      %dma_wait3A_137 = tpu.memref_slice %arg7[%add3A_136, %dma_wait3A] : memref<40x128xi32, #tpu.memory_space<vmem>> -> memref<1x128xi32, #tpu.memory_space<vmem>>
      %dma_wait3A_138 = tpu.memref_squeeze %dma_wait3A_137 : memref<1x128xi32, #tpu.memory_space<vmem>> -> memref<128xi32, #tpu.memory_space<vmem>>
      %dma_wait3A_139 = arith.constant 0 : i32
      %dma_wait3A_140 = arith.constant 0 : i32
      %dma_wait3A_141 = tpu.memref_slice %arg2[%dma_wait3A_139, %dma_wait3A_140] : memref<10000x128xf32, #tpu.memory_space<hbm>> -> memref<10000x128xf32, #tpu.memory_space<hbm>>
      tpu.wait_indirect_dma semaphore(%arg15 : memref<!tpu.dma_semaphore, #tpu.memory_space<semaphore_mem>>) src(%dma_wait3A_141 : memref<10000x128xf32, #tpu.memory_space<hbm>>) dst(%arg9 : memref<128x128xf32, #tpu.memory_space<vmem>>)
      %add3A_142 = arith.constant 0 : i32
      %add3A_143 = arith.addi %mul3A_134, %add3A_142 : i32
      %dma_start3A_144 = arith.constant 0 : i32
      %dma_start3A_145 = tpu.memref_slice %arg8[%add3A_143, %dma_start3A_144] : memref<40x128xi32, #tpu.memory_space<vmem>> -> memref<1x128xi32, #tpu.memory_space<vmem>>
      %dma_start3A_146 = tpu.memref_squeeze %dma_start3A_145 : memref<1x128xi32, #tpu.memory_space<vmem>> -> memref<128xi32, #tpu.memory_space<vmem>>
      %dma_start3A_147 = arith.constant 0 : i32
      %dma_start3A_148 = tpu.memref_slice %arg14[%dma_start3A_147] : memref<10240xf32, #tpu.memory_space<vmem_shared>> -> memref<10240xf32, #tpu.memory_space<vmem_shared>>
      tpu.enqueue_indirect_dma source(%arg11 : memref<128xf32, #tpu.memory_space<vmem>>) target(%dma_start3A_148 : memref<10240xf32, #tpu.memory_space<vmem_shared>>) offsets(%dma_start3A_146 : memref<128xi32, #tpu.memory_space<vmem>>) semaphore(%arg17 : memref<!tpu.dma_semaphore, #tpu.memory_space<semaphore_mem>>) {add = true}
      %add3A_149 = arith.constant 0 : i32
      %add3A_150 = arith.addi %mul3A_134, %add3A_149 : i32
      "tpu.region"() ({
        %run_scoped3A = tpu.sem_alloc : memref<!tpu.dma_semaphore, #tpu.memory_space<semaphore_mem>>
        %dma_start3A_184 = arith.constant 0 : i32
        %dma_start3A_185 = tpu.memref_slice %arg8[%add3A_150, %dma_start3A_184] : memref<40x128xi32, #tpu.memory_space<vmem>> -> memref<1x128xi32, #tpu.memory_space<vmem>>
        %dma_start3A_186 = tpu.memref_squeeze %dma_start3A_185 : memref<1x128xi32, #tpu.memory_space<vmem>> -> memref<128xi32, #tpu.memory_space<vmem>>
        %dma_start3A_187 = arith.constant 0 : i32
        %dma_start3A_188 = arith.constant 0 : i32
        %dma_start3A_189 = tpu.memref_slice %arg13[%dma_start3A_187, %dma_start3A_188] : memref<10240x128xf32, #tpu.memory_space<vmem_shared>> -> memref<10240x128xf32, #tpu.memory_space<vmem_shared>>
        tpu.enqueue_indirect_dma source(%arg9 : memref<128x128xf32, #tpu.memory_space<vmem>>) target(%dma_start3A_189 : memref<10240x128xf32, #tpu.memory_space<vmem_shared>>) offsets(%dma_start3A_186 : memref<128xi32, #tpu.memory_space<vmem>>) semaphore(%run_scoped3A : memref<!tpu.dma_semaphore, #tpu.memory_space<semaphore_mem>>) {add = true}
        %dma_wait3A_190 = arith.constant 0 : i32
        %dma_wait3A_191 = tpu.memref_slice %arg8[%add3A_150, %dma_wait3A_190] : memref<40x128xi32, #tpu.memory_space<vmem>> -> memref<1x128xi32, #tpu.memory_space<vmem>>
        %dma_wait3A_192 = tpu.memref_squeeze %dma_wait3A_191 : memref<1x128xi32, #tpu.memory_space<vmem>> -> memref<128xi32, #tpu.memory_space<vmem>>
        %dma_wait3A_193 = arith.constant 0 : i32
        %dma_wait3A_194 = arith.constant 0 : i32
        %dma_wait3A_195 = tpu.memref_slice %arg13[%dma_wait3A_193, %dma_wait3A_194] : memref<10240x128xf32, #tpu.memory_space<vmem_shared>> -> memref<10240x128xf32, #tpu.memory_space<vmem_shared>>
        tpu.wait_indirect_dma semaphore(%run_scoped3A : memref<!tpu.dma_semaphore, #tpu.memory_space<semaphore_mem>>) src(%arg9 : memref<128x128xf32, #tpu.memory_space<vmem>>) dst(%dma_wait3A_195 : memref<10240x128xf32, #tpu.memory_space<vmem_shared>>)
        tpu.yield
      }) : () -> ()
      %add3A_151 = arith.constant 0 : i32
      %add3A_152 = arith.addi %mul3A_134, %add3A_151 : i32
      %add3A_153 = arith.constant 2 : i32
      %add3A_154 = arith.addi %add3A_152, %add3A_153 : i32
      %lt3A = arith.constant 40 : i32
      %lt3A_155 = arith.cmpi slt, %add3A_154, %lt3A : i32
      %convert_element_type3A = arith.extui %lt3A_155 : i1 to i32
      %cond3A = arith.constant 0 : i32
      %cond3A_156 = arith.cmpi ne, %convert_element_type3A, %cond3A : i32
      scf.if %cond3A_156 {
        %add3A_184 = arith.constant 0 : i32
        %add3A_185 = arith.addi %mul3A_134, %add3A_184 : i32
        %add3A_186 = arith.constant 2 : i32
        %add3A_187 = arith.addi %add3A_185, %add3A_186 : i32
        %dma_start3A_188 = arith.constant 0 : i32
        %dma_start3A_189 = tpu.memref_slice %arg7[%add3A_187, %dma_start3A_188] : memref<40x128xi32, #tpu.memory_space<vmem>> -> memref<1x128xi32, #tpu.memory_space<vmem>>
        %dma_start3A_190 = tpu.memref_squeeze %dma_start3A_189 : memref<1x128xi32, #tpu.memory_space<vmem>> -> memref<128xi32, #tpu.memory_space<vmem>>
        %dma_start3A_191 = arith.constant 0 : i32
        %dma_start3A_192 = arith.constant 0 : i32
        %dma_start3A_193 = tpu.memref_slice %arg2[%dma_start3A_191, %dma_start3A_192] : memref<10000x128xf32, #tpu.memory_space<hbm>> -> memref<10000x128xf32, #tpu.memory_space<hbm>>
        tpu.enqueue_indirect_dma source(%dma_start3A_193 : memref<10000x128xf32, #tpu.memory_space<hbm>>) target(%arg9 : memref<128x128xf32, #tpu.memory_space<vmem>>) offsets(%dma_start3A_190 : memref<128xi32, #tpu.memory_space<vmem>>) semaphore(%arg15 : memref<!tpu.dma_semaphore, #tpu.memory_space<semaphore_mem>>)
      } else {
      }
      %add3A_157 = arith.constant 1 : i32
      %add3A_158 = arith.addi %mul3A_134, %add3A_157 : i32
      %dma_wait3A_159 = arith.constant 0 : i32
      %dma_wait3A_160 = tpu.memref_slice %arg7[%add3A_158, %dma_wait3A_159] : memref<40x128xi32, #tpu.memory_space<vmem>> -> memref<1x128xi32, #tpu.memory_space<vmem>>
      %dma_wait3A_161 = tpu.memref_squeeze %dma_wait3A_160 : memref<1x128xi32, #tpu.memory_space<vmem>> -> memref<128xi32, #tpu.memory_space<vmem>>
      %dma_wait3A_162 = arith.constant 0 : i32
      %dma_wait3A_163 = arith.constant 0 : i32
      %dma_wait3A_164 = tpu.memref_slice %arg2[%dma_wait3A_162, %dma_wait3A_163] : memref<10000x128xf32, #tpu.memory_space<hbm>> -> memref<10000x128xf32, #tpu.memory_space<hbm>>
      tpu.wait_indirect_dma semaphore(%arg16 : memref<!tpu.dma_semaphore, #tpu.memory_space<semaphore_mem>>) src(%dma_wait3A_164 : memref<10000x128xf32, #tpu.memory_space<hbm>>) dst(%arg10 : memref<128x128xf32, #tpu.memory_space<vmem>>)
      %add3A_165 = arith.constant 1 : i32
      %add3A_166 = arith.addi %mul3A_134, %add3A_165 : i32
      %dma_start3A_167 = arith.constant 0 : i32
      %dma_start3A_168 = tpu.memref_slice %arg8[%add3A_166, %dma_start3A_167] : memref<40x128xi32, #tpu.memory_space<vmem>> -> memref<1x128xi32, #tpu.memory_space<vmem>>
      %dma_start3A_169 = tpu.memref_squeeze %dma_start3A_168 : memref<1x128xi32, #tpu.memory_space<vmem>> -> memref<128xi32, #tpu.memory_space<vmem>>
      %dma_start3A_170 = arith.constant 0 : i32
      %dma_start3A_171 = tpu.memref_slice %arg14[%dma_start3A_170] : memref<10240xf32, #tpu.memory_space<vmem_shared>> -> memref<10240xf32, #tpu.memory_space<vmem_shared>>
      tpu.enqueue_indirect_dma source(%arg11 : memref<128xf32, #tpu.memory_space<vmem>>) target(%dma_start3A_171 : memref<10240xf32, #tpu.memory_space<vmem_shared>>) offsets(%dma_start3A_169 : memref<128xi32, #tpu.memory_space<vmem>>) semaphore(%arg17 : memref<!tpu.dma_semaphore, #tpu.memory_space<semaphore_mem>>) {add = true}
      %add3A_172 = arith.constant 1 : i32
      %add3A_173 = arith.addi %mul3A_134, %add3A_172 : i32
      "tpu.region"() ({
        %run_scoped3A = tpu.sem_alloc : memref<!tpu.dma_semaphore, #tpu.memory_space<semaphore_mem>>
        %dma_start3A_184 = arith.constant 0 : i32
        %dma_start3A_185 = tpu.memref_slice %arg8[%add3A_173, %dma_start3A_184] : memref<40x128xi32, #tpu.memory_space<vmem>> -> memref<1x128xi32, #tpu.memory_space<vmem>>
        %dma_start3A_186 = tpu.memref_squeeze %dma_start3A_185 : memref<1x128xi32, #tpu.memory_space<vmem>> -> memref<128xi32, #tpu.memory_space<vmem>>
        %dma_start3A_187 = arith.constant 0 : i32
        %dma_start3A_188 = arith.constant 0 : i32
        %dma_start3A_189 = tpu.memref_slice %arg13[%dma_start3A_187, %dma_start3A_188] : memref<10240x128xf32, #tpu.memory_space<vmem_shared>> -> memref<10240x128xf32, #tpu.memory_space<vmem_shared>>
        tpu.enqueue_indirect_dma source(%arg10 : memref<128x128xf32, #tpu.memory_space<vmem>>) target(%dma_start3A_189 : memref<10240x128xf32, #tpu.memory_space<vmem_shared>>) offsets(%dma_start3A_186 : memref<128xi32, #tpu.memory_space<vmem>>) semaphore(%run_scoped3A : memref<!tpu.dma_semaphore, #tpu.memory_space<semaphore_mem>>) {add = true}
        %dma_wait3A_190 = arith.constant 0 : i32
        %dma_wait3A_191 = tpu.memref_slice %arg8[%add3A_173, %dma_wait3A_190] : memref<40x128xi32, #tpu.memory_space<vmem>> -> memref<1x128xi32, #tpu.memory_space<vmem>>
        %dma_wait3A_192 = tpu.memref_squeeze %dma_wait3A_191 : memref<1x128xi32, #tpu.memory_space<vmem>> -> memref<128xi32, #tpu.memory_space<vmem>>
        %dma_wait3A_193 = arith.constant 0 : i32
        %dma_wait3A_194 = arith.constant 0 : i32
        %dma_wait3A_195 = tpu.memref_slice %arg13[%dma_wait3A_193, %dma_wait3A_194] : memref<10240x128xf32, #tpu.memory_space<vmem_shared>> -> memref<10240x128xf32, #tpu.memory_space<vmem_shared>>
        tpu.wait_indirect_dma semaphore(%run_scoped3A : memref<!tpu.dma_semaphore, #tpu.memory_space<semaphore_mem>>) src(%arg10 : memref<128x128xf32, #tpu.memory_space<vmem>>) dst(%dma_wait3A_195 : memref<10240x128xf32, #tpu.memory_space<vmem_shared>>)
        tpu.yield
      }) : () -> ()
      %add3A_174 = arith.constant 1 : i32
      %add3A_175 = arith.addi %mul3A_134, %add3A_174 : i32
      %add3A_176 = arith.constant 2 : i32
      %add3A_177 = arith.addi %add3A_175, %add3A_176 : i32
      %lt3A_178 = arith.constant 40 : i32
      %lt3A_179 = arith.cmpi slt, %add3A_177, %lt3A_178 : i32
      %convert_element_type3A_180 = arith.extui %lt3A_179 : i1 to i32
      %cond3A_181 = arith.constant 0 : i32
      %cond3A_182 = arith.cmpi ne, %convert_element_type3A_180, %cond3A_181 : i32
      scf.if %cond3A_182 {
        %add3A_184 = arith.constant 1 : i32
        %add3A_185 = arith.addi %mul3A_134, %add3A_184 : i32
        %add3A_186 = arith.constant 2 : i32
        %add3A_187 = arith.addi %add3A_185, %add3A_186 : i32
        %dma_start3A_188 = arith.constant 0 : i32
        %dma_start3A_189 = tpu.memref_slice %arg7[%add3A_187, %dma_start3A_188] : memref<40x128xi32, #tpu.memory_space<vmem>> -> memref<1x128xi32, #tpu.memory_space<vmem>>
        %dma_start3A_190 = tpu.memref_squeeze %dma_start3A_189 : memref<1x128xi32, #tpu.memory_space<vmem>> -> memref<128xi32, #tpu.memory_space<vmem>>
        %dma_start3A_191 = arith.constant 0 : i32
        %dma_start3A_192 = arith.constant 0 : i32
        %dma_start3A_193 = tpu.memref_slice %arg2[%dma_start3A_191, %dma_start3A_192] : memref<10000x128xf32, #tpu.memory_space<hbm>> -> memref<10000x128xf32, #tpu.memory_space<hbm>>
        tpu.enqueue_indirect_dma source(%dma_start3A_193 : memref<10000x128xf32, #tpu.memory_space<hbm>>) target(%arg10 : memref<128x128xf32, #tpu.memory_space<vmem>>) offsets(%dma_start3A_190 : memref<128xi32, #tpu.memory_space<vmem>>) semaphore(%arg16 : memref<!tpu.dma_semaphore, #tpu.memory_space<semaphore_mem>>)
      } else {
      }
      %scan3A_183 = arith.constant 0 : i32
      scf.yield %scan3A_183 : i32
    }
    %scan3A_91 = arith.constant 20 : i32
    %scan3A_92 = arith.constant 0 : i32
    %scan3A_93 = arith.constant 0 : i32
    %scan3A_94 = arith.constant 40 : i32
    %scan3A_95 = arith.addi %scan3A_93, %scan3A_94 : i32
    %scan3A_96 = arith.constant 1 : i32
    %scan3A_97 = scf.for %scan3A_131 = %scan3A_93 to %scan3A_95 step %scan3A_96 iter_args(%scan3A_132 = %scan3A_92) -> (i32)  : i32 {
      %dma_wait3A = arith.constant 0 : i32
      %dma_wait3A_133 = tpu.memref_slice %arg8[%scan3A_131, %dma_wait3A] : memref<40x128xi32, #tpu.memory_space<vmem>> -> memref<1x128xi32, #tpu.memory_space<vmem>>
      %dma_wait3A_134 = tpu.memref_squeeze %dma_wait3A_133 : memref<1x128xi32, #tpu.memory_space<vmem>> -> memref<128xi32, #tpu.memory_space<vmem>>
      %dma_wait3A_135 = arith.constant 0 : i32
      %dma_wait3A_136 = tpu.memref_slice %arg14[%dma_wait3A_135] : memref<10240xf32, #tpu.memory_space<vmem_shared>> -> memref<10240xf32, #tpu.memory_space<vmem_shared>>
      tpu.wait_indirect_dma semaphore(%arg17 : memref<!tpu.dma_semaphore, #tpu.memory_space<semaphore_mem>>) src(%arg11 : memref<128xf32, #tpu.memory_space<vmem>>) dst(%dma_wait3A_136 : memref<10240xf32, #tpu.memory_space<vmem_shared>>)
      %scan3A_137 = arith.constant 0 : i32
      scf.yield %scan3A_137 : i32
    }
    %scan3A_98 = arith.constant 40 : i32
    "tpu.region"() ({
      %run_scoped3A = tpu.sem_alloc : memref<!tpu.dma_semaphore, #tpu.memory_space<semaphore_mem>>
      %dma_start3A_131 = arith.constant 40 : i32
      %dma_start3A_132 = arith.constant 0 : i32
      %dma_start3A_133 = tpu.memref_slice %arg3[%add3A, %dma_start3A_131, %dma_start3A_132] : memref<32x80x128xi32, #tpu.memory_space<hbm>> -> memref<1x40x128xi32, #tpu.memory_space<hbm>>
      %dma_start3A_134 = tpu.memref_squeeze %dma_start3A_133 : memref<1x40x128xi32, #tpu.memory_space<hbm>> -> memref<40x128xi32, #tpu.memory_space<hbm>>
      %dma_start3A_135 = arith.constant 40 : i32
      %dma_start3A_136 = arith.constant 0 : i32
      %dma_start3A_137 = tpu.memref_slice %arg3[%add3A, %dma_start3A_135, %dma_start3A_136] : memref<32x80x128xi32, #tpu.memory_space<hbm>> -> memref<1x40x128xi32, #tpu.memory_space<hbm>>
      %dma_start3A_138 = tpu.memref_squeeze %dma_start3A_137 : memref<1x40x128xi32, #tpu.memory_space<hbm>> -> memref<40x128xi32, #tpu.memory_space<hbm>>
      tpu.enqueue_dma source(%dma_start3A_138 : memref<40x128xi32, #tpu.memory_space<hbm>>) target(%arg7 : memref<40x128xi32, #tpu.memory_space<vmem>>) target_semaphore(%run_scoped3A : memref<!tpu.dma_semaphore, #tpu.memory_space<semaphore_mem>>)
      %dma_wait3A = arith.constant 40 : i32
      %dma_wait3A_139 = arith.constant 0 : i32
      %dma_wait3A_140 = tpu.memref_slice %arg3[%add3A, %dma_wait3A, %dma_wait3A_139] : memref<32x80x128xi32, #tpu.memory_space<hbm>> -> memref<1x40x128xi32, #tpu.memory_space<hbm>>
      %dma_wait3A_141 = tpu.memref_squeeze %dma_wait3A_140 : memref<1x40x128xi32, #tpu.memory_space<hbm>> -> memref<40x128xi32, #tpu.memory_space<hbm>>
      %dma_wait3A_142 = arith.constant 40 : i32
      %dma_wait3A_143 = arith.constant 0 : i32
      %dma_wait3A_144 = tpu.memref_slice %arg3[%add3A, %dma_wait3A_142, %dma_wait3A_143] : memref<32x80x128xi32, #tpu.memory_space<hbm>> -> memref<1x40x128xi32, #tpu.memory_space<hbm>>
      %dma_wait3A_145 = tpu.memref_squeeze %dma_wait3A_144 : memref<1x40x128xi32, #tpu.memory_space<hbm>> -> memref<40x128xi32, #tpu.memory_space<hbm>>
      tpu.wait_dma2 semaphore(%run_scoped3A : memref<!tpu.dma_semaphore, #tpu.memory_space<semaphore_mem>>) src(%dma_wait3A_145 : memref<40x128xi32, #tpu.memory_space<hbm>>) dst(%arg7 : memref<40x128xi32, #tpu.memory_space<vmem>>)
      tpu.yield
    }) : () -> ()
    "tpu.region"() ({
      %run_scoped3A = tpu.sem_alloc : memref<!tpu.dma_semaphore, #tpu.memory_space<semaphore_mem>>
      %dma_start3A_131 = arith.constant 40 : i32
      %dma_start3A_132 = arith.constant 0 : i32
      %dma_start3A_133 = tpu.memref_slice %arg4[%add3A, %dma_start3A_131, %dma_start3A_132] : memref<32x80x128xi32, #tpu.memory_space<hbm>> -> memref<1x40x128xi32, #tpu.memory_space<hbm>>
      %dma_start3A_134 = tpu.memref_squeeze %dma_start3A_133 : memref<1x40x128xi32, #tpu.memory_space<hbm>> -> memref<40x128xi32, #tpu.memory_space<hbm>>
      %dma_start3A_135 = arith.constant 40 : i32
      %dma_start3A_136 = arith.constant 0 : i32
      %dma_start3A_137 = tpu.memref_slice %arg4[%add3A, %dma_start3A_135, %dma_start3A_136] : memref<32x80x128xi32, #tpu.memory_space<hbm>> -> memref<1x40x128xi32, #tpu.memory_space<hbm>>
      %dma_start3A_138 = tpu.memref_squeeze %dma_start3A_137 : memref<1x40x128xi32, #tpu.memory_space<hbm>> -> memref<40x128xi32, #tpu.memory_space<hbm>>
      tpu.enqueue_dma source(%dma_start3A_138 : memref<40x128xi32, #tpu.memory_space<hbm>>) target(%arg8 : memref<40x128xi32, #tpu.memory_space<vmem>>) target_semaphore(%run_scoped3A : memref<!tpu.dma_semaphore, #tpu.memory_space<semaphore_mem>>)
      %dma_wait3A = arith.constant 40 : i32
      %dma_wait3A_139 = arith.constant 0 : i32
      %dma_wait3A_140 = tpu.memref_slice %arg4[%add3A, %dma_wait3A, %dma_wait3A_139] : memref<32x80x128xi32, #tpu.memory_space<hbm>> -> memref<1x40x128xi32, #tpu.memory_space<hbm>>
      %dma_wait3A_141 = tpu.memref_squeeze %dma_wait3A_140 : memref<1x40x128xi32, #tpu.memory_space<hbm>> -> memref<40x128xi32, #tpu.memory_space<hbm>>
      %dma_wait3A_142 = arith.constant 40 : i32
      %dma_wait3A_143 = arith.constant 0 : i32
      %dma_wait3A_144 = tpu.memref_slice %arg4[%add3A, %dma_wait3A_142, %dma_wait3A_143] : memref<32x80x128xi32, #tpu.memory_space<hbm>> -> memref<1x40x128xi32, #tpu.memory_space<hbm>>
      %dma_wait3A_145 = tpu.memref_squeeze %dma_wait3A_144 : memref<1x40x128xi32, #tpu.memory_space<hbm>> -> memref<40x128xi32, #tpu.memory_space<hbm>>
      tpu.wait_dma2 semaphore(%run_scoped3A : memref<!tpu.dma_semaphore, #tpu.memory_space<semaphore_mem>>) src(%dma_wait3A_145 : memref<40x128xi32, #tpu.memory_space<hbm>>) dst(%arg8 : memref<40x128xi32, #tpu.memory_space<vmem>>)
      tpu.yield
    }) : () -> ()
    %dma_start3A_99 = arith.constant 0 : i32
    %dma_start3A_100 = arith.constant 0 : i32
    %dma_start3A_101 = tpu.memref_slice %arg7[%dma_start3A_99, %dma_start3A_100] : memref<40x128xi32, #tpu.memory_space<vmem>> -> memref<1x128xi32, #tpu.memory_space<vmem>>
    %dma_start3A_102 = tpu.memref_squeeze %dma_start3A_101 : memref<1x128xi32, #tpu.memory_space<vmem>> -> memref<128xi32, #tpu.memory_space<vmem>>
    %dma_start3A_103 = arith.constant 0 : i32
    %dma_start3A_104 = arith.constant 0 : i32
    %dma_start3A_105 = tpu.memref_slice %arg2[%dma_start3A_103, %dma_start3A_104] : memref<10000x128xf32, #tpu.memory_space<hbm>> -> memref<10000x128xf32, #tpu.memory_space<hbm>>
    tpu.enqueue_indirect_dma source(%dma_start3A_105 : memref<10000x128xf32, #tpu.memory_space<hbm>>) target(%arg9 : memref<128x128xf32, #tpu.memory_space<vmem>>) offsets(%dma_start3A_102 : memref<128xi32, #tpu.memory_space<vmem>>) semaphore(%arg15 : memref<!tpu.dma_semaphore, #tpu.memory_space<semaphore_mem>>)
    %dma_start3A_106 = arith.constant 1 : i32
    %dma_start3A_107 = arith.constant 0 : i32
    %dma_start3A_108 = tpu.memref_slice %arg7[%dma_start3A_106, %dma_start3A_107] : memref<40x128xi32, #tpu.memory_space<vmem>> -> memref<1x128xi32, #tpu.memory_space<vmem>>
    %dma_start3A_109 = tpu.memref_squeeze %dma_start3A_108 : memref<1x128xi32, #tpu.memory_space<vmem>> -> memref<128xi32, #tpu.memory_space<vmem>>
    %dma_start3A_110 = arith.constant 0 : i32
    %dma_start3A_111 = arith.constant 0 : i32
    %dma_start3A_112 = tpu.memref_slice %arg2[%dma_start3A_110, %dma_start3A_111] : memref<10000x128xf32, #tpu.memory_space<hbm>> -> memref<10000x128xf32, #tpu.memory_space<hbm>>
    tpu.enqueue_indirect_dma source(%dma_start3A_112 : memref<10000x128xf32, #tpu.memory_space<hbm>>) target(%arg10 : memref<128x128xf32, #tpu.memory_space<vmem>>) offsets(%dma_start3A_109 : memref<128xi32, #tpu.memory_space<vmem>>) semaphore(%arg16 : memref<!tpu.dma_semaphore, #tpu.memory_space<semaphore_mem>>)
    %scan3A_113 = arith.constant 0 : i32
    %scan3A_114 = arith.constant 0 : i32
    %scan3A_115 = arith.constant 20 : i32
    %scan3A_116 = arith.addi %scan3A_114, %scan3A_115 : i32
    %scan3A_117 = arith.constant 1 : i32
    %scan3A_118 = scf.for %scan3A_131 = %scan3A_114 to %scan3A_116 step %scan3A_117 iter_args(%scan3A_132 = %scan3A_113) -> (i32)  : i32 {
      %mul3A_133 = arith.constant 2 : i32
      %mul3A_134 = arith.muli %scan3A_131, %mul3A_133 : i32
      %add3A_135 = arith.constant 0 : i32
      %add3A_136 = arith.addi %mul3A_134, %add3A_135 : i32
      %dma_wait3A = arith.constant 0 : i32
      %dma_wait3A_137 = tpu.memref_slice %arg7[%add3A_136, %dma_wait3A] : memref<40x128xi32, #tpu.memory_space<vmem>> -> memref<1x128xi32, #tpu.memory_space<vmem>>
      %dma_wait3A_138 = tpu.memref_squeeze %dma_wait3A_137 : memref<1x128xi32, #tpu.memory_space<vmem>> -> memref<128xi32, #tpu.memory_space<vmem>>
      %dma_wait3A_139 = arith.constant 0 : i32
      %dma_wait3A_140 = arith.constant 0 : i32
      %dma_wait3A_141 = tpu.memref_slice %arg2[%dma_wait3A_139, %dma_wait3A_140] : memref<10000x128xf32, #tpu.memory_space<hbm>> -> memref<10000x128xf32, #tpu.memory_space<hbm>>
      tpu.wait_indirect_dma semaphore(%arg15 : memref<!tpu.dma_semaphore, #tpu.memory_space<semaphore_mem>>) src(%dma_wait3A_141 : memref<10000x128xf32, #tpu.memory_space<hbm>>) dst(%arg9 : memref<128x128xf32, #tpu.memory_space<vmem>>)
      %add3A_142 = arith.constant 0 : i32
      %add3A_143 = arith.addi %mul3A_134, %add3A_142 : i32
      %dma_start3A_144 = arith.constant 0 : i32
      %dma_start3A_145 = tpu.memref_slice %arg8[%add3A_143, %dma_start3A_144] : memref<40x128xi32, #tpu.memory_space<vmem>> -> memref<1x128xi32, #tpu.memory_space<vmem>>
      %dma_start3A_146 = tpu.memref_squeeze %dma_start3A_145 : memref<1x128xi32, #tpu.memory_space<vmem>> -> memref<128xi32, #tpu.memory_space<vmem>>
      %dma_start3A_147 = arith.constant 0 : i32
      %dma_start3A_148 = tpu.memref_slice %arg14[%dma_start3A_147] : memref<10240xf32, #tpu.memory_space<vmem_shared>> -> memref<10240xf32, #tpu.memory_space<vmem_shared>>
      tpu.enqueue_indirect_dma source(%arg11 : memref<128xf32, #tpu.memory_space<vmem>>) target(%dma_start3A_148 : memref<10240xf32, #tpu.memory_space<vmem_shared>>) offsets(%dma_start3A_146 : memref<128xi32, #tpu.memory_space<vmem>>) semaphore(%arg17 : memref<!tpu.dma_semaphore, #tpu.memory_space<semaphore_mem>>) {add = true}
      %add3A_149 = arith.constant 0 : i32
      %add3A_150 = arith.addi %mul3A_134, %add3A_149 : i32
      "tpu.region"() ({
        %run_scoped3A = tpu.sem_alloc : memref<!tpu.dma_semaphore, #tpu.memory_space<semaphore_mem>>
        %dma_start3A_184 = arith.constant 0 : i32
        %dma_start3A_185 = tpu.memref_slice %arg8[%add3A_150, %dma_start3A_184] : memref<40x128xi32, #tpu.memory_space<vmem>> -> memref<1x128xi32, #tpu.memory_space<vmem>>
        %dma_start3A_186 = tpu.memref_squeeze %dma_start3A_185 : memref<1x128xi32, #tpu.memory_space<vmem>> -> memref<128xi32, #tpu.memory_space<vmem>>
        %dma_start3A_187 = arith.constant 0 : i32
        %dma_start3A_188 = arith.constant 0 : i32
        %dma_start3A_189 = tpu.memref_slice %arg13[%dma_start3A_187, %dma_start3A_188] : memref<10240x128xf32, #tpu.memory_space<vmem_shared>> -> memref<10240x128xf32, #tpu.memory_space<vmem_shared>>
        tpu.enqueue_indirect_dma source(%arg9 : memref<128x128xf32, #tpu.memory_space<vmem>>) target(%dma_start3A_189 : memref<10240x128xf32, #tpu.memory_space<vmem_shared>>) offsets(%dma_start3A_186 : memref<128xi32, #tpu.memory_space<vmem>>) semaphore(%run_scoped3A : memref<!tpu.dma_semaphore, #tpu.memory_space<semaphore_mem>>) {add = true}
        %dma_wait3A_190 = arith.constant 0 : i32
        %dma_wait3A_191 = tpu.memref_slice %arg8[%add3A_150, %dma_wait3A_190] : memref<40x128xi32, #tpu.memory_space<vmem>> -> memref<1x128xi32, #tpu.memory_space<vmem>>
        %dma_wait3A_192 = tpu.memref_squeeze %dma_wait3A_191 : memref<1x128xi32, #tpu.memory_space<vmem>> -> memref<128xi32, #tpu.memory_space<vmem>>
        %dma_wait3A_193 = arith.constant 0 : i32
        %dma_wait3A_194 = arith.constant 0 : i32
        %dma_wait3A_195 = tpu.memref_slice %arg13[%dma_wait3A_193, %dma_wait3A_194] : memref<10240x128xf32, #tpu.memory_space<vmem_shared>> -> memref<10240x128xf32, #tpu.memory_space<vmem_shared>>
        tpu.wait_indirect_dma semaphore(%run_scoped3A : memref<!tpu.dma_semaphore, #tpu.memory_space<semaphore_mem>>) src(%arg9 : memref<128x128xf32, #tpu.memory_space<vmem>>) dst(%dma_wait3A_195 : memref<10240x128xf32, #tpu.memory_space<vmem_shared>>)
        tpu.yield
      }) : () -> ()
      %add3A_151 = arith.constant 0 : i32
      %add3A_152 = arith.addi %mul3A_134, %add3A_151 : i32
      %add3A_153 = arith.constant 2 : i32
      %add3A_154 = arith.addi %add3A_152, %add3A_153 : i32
      %lt3A = arith.constant 40 : i32
      %lt3A_155 = arith.cmpi slt, %add3A_154, %lt3A : i32
      %convert_element_type3A = arith.extui %lt3A_155 : i1 to i32
      %cond3A = arith.constant 0 : i32
      %cond3A_156 = arith.cmpi ne, %convert_element_type3A, %cond3A : i32
      scf.if %cond3A_156 {
        %add3A_184 = arith.constant 0 : i32
        %add3A_185 = arith.addi %mul3A_134, %add3A_184 : i32
        %add3A_186 = arith.constant 2 : i32
        %add3A_187 = arith.addi %add3A_185, %add3A_186 : i32
        %dma_start3A_188 = arith.constant 0 : i32
        %dma_start3A_189 = tpu.memref_slice %arg7[%add3A_187, %dma_start3A_188] : memref<40x128xi32, #tpu.memory_space<vmem>> -> memref<1x128xi32, #tpu.memory_space<vmem>>
        %dma_start3A_190 = tpu.memref_squeeze %dma_start3A_189 : memref<1x128xi32, #tpu.memory_space<vmem>> -> memref<128xi32, #tpu.memory_space<vmem>>
        %dma_start3A_191 = arith.constant 0 : i32
        %dma_start3A_192 = arith.constant 0 : i32
        %dma_start3A_193 = tpu.memref_slice %arg2[%dma_start3A_191, %dma_start3A_192] : memref<10000x128xf32, #tpu.memory_space<hbm>> -> memref<10000x128xf32, #tpu.memory_space<hbm>>
        tpu.enqueue_indirect_dma source(%dma_start3A_193 : memref<10000x128xf32, #tpu.memory_space<hbm>>) target(%arg9 : memref<128x128xf32, #tpu.memory_space<vmem>>) offsets(%dma_start3A_190 : memref<128xi32, #tpu.memory_space<vmem>>) semaphore(%arg15 : memref<!tpu.dma_semaphore, #tpu.memory_space<semaphore_mem>>)
      } else {
      }
      %add3A_157 = arith.constant 1 : i32
      %add3A_158 = arith.addi %mul3A_134, %add3A_157 : i32
      %dma_wait3A_159 = arith.constant 0 : i32
      %dma_wait3A_160 = tpu.memref_slice %arg7[%add3A_158, %dma_wait3A_159] : memref<40x128xi32, #tpu.memory_space<vmem>> -> memref<1x128xi32, #tpu.memory_space<vmem>>
      %dma_wait3A_161 = tpu.memref_squeeze %dma_wait3A_160 : memref<1x128xi32, #tpu.memory_space<vmem>> -> memref<128xi32, #tpu.memory_space<vmem>>
      %dma_wait3A_162 = arith.constant 0 : i32
      %dma_wait3A_163 = arith.constant 0 : i32
      %dma_wait3A_164 = tpu.memref_slice %arg2[%dma_wait3A_162, %dma_wait3A_163] : memref<10000x128xf32, #tpu.memory_space<hbm>> -> memref<10000x128xf32, #tpu.memory_space<hbm>>
      tpu.wait_indirect_dma semaphore(%arg16 : memref<!tpu.dma_semaphore, #tpu.memory_space<semaphore_mem>>) src(%dma_wait3A_164 : memref<10000x128xf32, #tpu.memory_space<hbm>>) dst(%arg10 : memref<128x128xf32, #tpu.memory_space<vmem>>)
      %add3A_165 = arith.constant 1 : i32
      %add3A_166 = arith.addi %mul3A_134, %add3A_165 : i32
      %dma_start3A_167 = arith.constant 0 : i32
      %dma_start3A_168 = tpu.memref_slice %arg8[%add3A_166, %dma_start3A_167] : memref<40x128xi32, #tpu.memory_space<vmem>> -> memref<1x128xi32, #tpu.memory_space<vmem>>
      %dma_start3A_169 = tpu.memref_squeeze %dma_start3A_168 : memref<1x128xi32, #tpu.memory_space<vmem>> -> memref<128xi32, #tpu.memory_space<vmem>>
      %dma_start3A_170 = arith.constant 0 : i32
      %dma_start3A_171 = tpu.memref_slice %arg14[%dma_start3A_170] : memref<10240xf32, #tpu.memory_space<vmem_shared>> -> memref<10240xf32, #tpu.memory_space<vmem_shared>>
      tpu.enqueue_indirect_dma source(%arg11 : memref<128xf32, #tpu.memory_space<vmem>>) target(%dma_start3A_171 : memref<10240xf32, #tpu.memory_space<vmem_shared>>) offsets(%dma_start3A_169 : memref<128xi32, #tpu.memory_space<vmem>>) semaphore(%arg17 : memref<!tpu.dma_semaphore, #tpu.memory_space<semaphore_mem>>) {add = true}
      %add3A_172 = arith.constant 1 : i32
      %add3A_173 = arith.addi %mul3A_134, %add3A_172 : i32
      "tpu.region"() ({
        %run_scoped3A = tpu.sem_alloc : memref<!tpu.dma_semaphore, #tpu.memory_space<semaphore_mem>>
        %dma_start3A_184 = arith.constant 0 : i32
        %dma_start3A_185 = tpu.memref_slice %arg8[%add3A_173, %dma_start3A_184] : memref<40x128xi32, #tpu.memory_space<vmem>> -> memref<1x128xi32, #tpu.memory_space<vmem>>
        %dma_start3A_186 = tpu.memref_squeeze %dma_start3A_185 : memref<1x128xi32, #tpu.memory_space<vmem>> -> memref<128xi32, #tpu.memory_space<vmem>>
        %dma_start3A_187 = arith.constant 0 : i32
        %dma_start3A_188 = arith.constant 0 : i32
        %dma_start3A_189 = tpu.memref_slice %arg13[%dma_start3A_187, %dma_start3A_188] : memref<10240x128xf32, #tpu.memory_space<vmem_shared>> -> memref<10240x128xf32, #tpu.memory_space<vmem_shared>>
        tpu.enqueue_indirect_dma source(%arg10 : memref<128x128xf32, #tpu.memory_space<vmem>>) target(%dma_start3A_189 : memref<10240x128xf32, #tpu.memory_space<vmem_shared>>) offsets(%dma_start3A_186 : memref<128xi32, #tpu.memory_space<vmem>>) semaphore(%run_scoped3A : memref<!tpu.dma_semaphore, #tpu.memory_space<semaphore_mem>>) {add = true}
        %dma_wait3A_190 = arith.constant 0 : i32
        %dma_wait3A_191 = tpu.memref_slice %arg8[%add3A_173, %dma_wait3A_190] : memref<40x128xi32, #tpu.memory_space<vmem>> -> memref<1x128xi32, #tpu.memory_space<vmem>>
        %dma_wait3A_192 = tpu.memref_squeeze %dma_wait3A_191 : memref<1x128xi32, #tpu.memory_space<vmem>> -> memref<128xi32, #tpu.memory_space<vmem>>
        %dma_wait3A_193 = arith.constant 0 : i32
        %dma_wait3A_194 = arith.constant 0 : i32
        %dma_wait3A_195 = tpu.memref_slice %arg13[%dma_wait3A_193, %dma_wait3A_194] : memref<10240x128xf32, #tpu.memory_space<vmem_shared>> -> memref<10240x128xf32, #tpu.memory_space<vmem_shared>>
        tpu.wait_indirect_dma semaphore(%run_scoped3A : memref<!tpu.dma_semaphore, #tpu.memory_space<semaphore_mem>>) src(%arg10 : memref<128x128xf32, #tpu.memory_space<vmem>>) dst(%dma_wait3A_195 : memref<10240x128xf32, #tpu.memory_space<vmem_shared>>)
        tpu.yield
      }) : () -> ()
      %add3A_174 = arith.constant 1 : i32
      %add3A_175 = arith.addi %mul3A_134, %add3A_174 : i32
      %add3A_176 = arith.constant 2 : i32
      %add3A_177 = arith.addi %add3A_175, %add3A_176 : i32
      %lt3A_178 = arith.constant 40 : i32
      %lt3A_179 = arith.cmpi slt, %add3A_177, %lt3A_178 : i32
      %convert_element_type3A_180 = arith.extui %lt3A_179 : i1 to i32
      %cond3A_181 = arith.constant 0 : i32
      %cond3A_182 = arith.cmpi ne, %convert_element_type3A_180, %cond3A_181 : i32
      scf.if %cond3A_182 {
        %add3A_184 = arith.constant 1 : i32
        %add3A_185 = arith.addi %mul3A_134, %add3A_184 : i32
        %add3A_186 = arith.constant 2 : i32
        %add3A_187 = arith.addi %add3A_185, %add3A_186 : i32
        %dma_start3A_188 = arith.constant 0 : i32
        %dma_start3A_189 = tpu.memref_slice %arg7[%add3A_187, %dma_start3A_188] : memref<40x128xi32, #tpu.memory_space<vmem>> -> memref<1x128xi32, #tpu.memory_space<vmem>>
        %dma_start3A_190 = tpu.memref_squeeze %dma_start3A_189 : memref<1x128xi32, #tpu.memory_space<vmem>> -> memref<128xi32, #tpu.memory_space<vmem>>
        %dma_start3A_191 = arith.constant 0 : i32
        %dma_start3A_192 = arith.constant 0 : i32
        %dma_start3A_193 = tpu.memref_slice %arg2[%dma_start3A_191, %dma_start3A_192] : memref<10000x128xf32, #tpu.memory_space<hbm>> -> memref<10000x128xf32, #tpu.memory_space<hbm>>
        tpu.enqueue_indirect_dma source(%dma_start3A_193 : memref<10000x128xf32, #tpu.memory_space<hbm>>) target(%arg10 : memref<128x128xf32, #tpu.memory_space<vmem>>) offsets(%dma_start3A_190 : memref<128xi32, #tpu.memory_space<vmem>>) semaphore(%arg16 : memref<!tpu.dma_semaphore, #tpu.memory_space<semaphore_mem>>)
      } else {
      }
      %scan3A_183 = arith.constant 0 : i32
      scf.yield %scan3A_183 : i32
    }
    %scan3A_119 = arith.constant 20 : i32
    %scan3A_120 = arith.constant 0 : i32
    %scan3A_121 = arith.constant 0 : i32
    %scan3A_122 = arith.constant 40 : i32
    %scan3A_123 = arith.addi %scan3A_121, %scan3A_122 : i32
    %scan3A_124 = arith.constant 1 : i32
    %scan3A_125 = scf.for %scan3A_131 = %scan3A_121 to %scan3A_123 step %scan3A_124 iter_args(%scan3A_132 = %scan3A_120) -> (i32)  : i32 {
      %dma_wait3A = arith.constant 0 : i32
      %dma_wait3A_133 = tpu.memref_slice %arg8[%scan3A_131, %dma_wait3A] : memref<40x128xi32, #tpu.memory_space<vmem>> -> memref<1x128xi32, #tpu.memory_space<vmem>>
      %dma_wait3A_134 = tpu.memref_squeeze %dma_wait3A_133 : memref<1x128xi32, #tpu.memory_space<vmem>> -> memref<128xi32, #tpu.memory_space<vmem>>
      %dma_wait3A_135 = arith.constant 0 : i32
      %dma_wait3A_136 = tpu.memref_slice %arg14[%dma_wait3A_135] : memref<10240xf32, #tpu.memory_space<vmem_shared>> -> memref<10240xf32, #tpu.memory_space<vmem_shared>>
      tpu.wait_indirect_dma semaphore(%arg17 : memref<!tpu.dma_semaphore, #tpu.memory_space<semaphore_mem>>) src(%arg11 : memref<128xf32, #tpu.memory_space<vmem>>) dst(%dma_wait3A_136 : memref<10240xf32, #tpu.memory_space<vmem_shared>>)
      %scan3A_137 = arith.constant 0 : i32
      scf.yield %scan3A_137 : i32
    }
    %scan3A_126 = arith.constant 40 : i32
    %barrier3A_127 = arith.constant 0 : index
    tpu.barrier barrier_id(%barrier3A_127)
    "tpu.region"() ({
      %run_scoped3A = tpu.sem_alloc : memref<!tpu.dma_semaphore, #tpu.memory_space<semaphore_mem>>
      %dma_start3A_131 = arith.constant 0 : i32
      %dma_start3A_132 = tpu.memref_slice %arg5[%arg0, %mul3A_2, %dma_start3A_131] : memref<2x10240x128xf32, #tpu.memory_space<hbm>> -> memref<1x640x128xf32, #tpu.memory_space<hbm>>
      %dma_start3A_133 = tpu.memref_squeeze %dma_start3A_132 : memref<1x640x128xf32, #tpu.memory_space<hbm>> -> memref<640x128xf32, #tpu.memory_space<hbm>>
      %dma_start3A_134 = arith.constant 0 : i32
      %dma_start3A_135 = tpu.memref_slice %arg13[%mul3A_2, %dma_start3A_134] : memref<10240x128xf32, #tpu.memory_space<vmem_shared>> -> memref<640x128xf32, #tpu.memory_space<vmem_shared>>
      tpu.enqueue_dma source(%dma_start3A_135 : memref<640x128xf32, #tpu.memory_space<vmem_shared>>) target(%dma_start3A_133 : memref<640x128xf32, #tpu.memory_space<hbm>>) target_semaphore(%run_scoped3A : memref<!tpu.dma_semaphore, #tpu.memory_space<semaphore_mem>>)
      %dma_wait3A = arith.constant 0 : i32
      %dma_wait3A_136 = tpu.memref_slice %arg5[%arg0, %mul3A_2, %dma_wait3A] : memref<2x10240x128xf32, #tpu.memory_space<hbm>> -> memref<1x640x128xf32, #tpu.memory_space<hbm>>
      %dma_wait3A_137 = tpu.memref_squeeze %dma_wait3A_136 : memref<1x640x128xf32, #tpu.memory_space<hbm>> -> memref<640x128xf32, #tpu.memory_space<hbm>>
      %dma_wait3A_138 = arith.constant 0 : i32
      %dma_wait3A_139 = tpu.memref_slice %arg13[%mul3A_2, %dma_wait3A_138] : memref<10240x128xf32, #tpu.memory_space<vmem_shared>> -> memref<640x128xf32, #tpu.memory_space<vmem_shared>>
      tpu.wait_dma2 semaphore(%run_scoped3A : memref<!tpu.dma_semaphore, #tpu.memory_space<semaphore_mem>>) src(%dma_wait3A_139 : memref<640x128xf32, #tpu.memory_space<vmem_shared>>) dst(%dma_wait3A_137 : memref<640x128xf32, #tpu.memory_space<hbm>>)
      tpu.yield
    }) : () -> ()
    %mul3A_128 = arith.constant 10240 : i32
    %mul3A_129 = arith.muli %arg0, %mul3A_128 : i32
    %add3A_130 = arith.addi %mul3A_129, %mul3A_2 : i32
    "tpu.region"() ({
      %run_scoped3A = tpu.sem_alloc : memref<!tpu.dma_semaphore, #tpu.memory_space<semaphore_mem>>
      %dma_start3A_131 = tpu.memref_slice %arg6[%add3A_130] : memref<20480xf32, #tpu.memory_space<hbm>> -> memref<640xf32, #tpu.memory_space<hbm>>
      %dma_start3A_132 = tpu.memref_slice %arg14[%mul3A_2] : memref<10240xf32, #tpu.memory_space<vmem_shared>> -> memref<640xf32, #tpu.memory_space<vmem_shared>>
      tpu.enqueue_dma source(%dma_start3A_132 : memref<640xf32, #tpu.memory_space<vmem_shared>>) target(%dma_start3A_131 : memref<640xf32, #tpu.memory_space<hbm>>) target_semaphore(%run_scoped3A : memref<!tpu.dma_semaphore, #tpu.memory_space<semaphore_mem>>)
      %dma_wait3A = tpu.memref_slice %arg6[%add3A_130] : memref<20480xf32, #tpu.memory_space<hbm>> -> memref<640xf32, #tpu.memory_space<hbm>>
      %dma_wait3A_133 = tpu.memref_slice %arg14[%mul3A_2] : memref<10240xf32, #tpu.memory_space<vmem_shared>> -> memref<640xf32, #tpu.memory_space<vmem_shared>>
      tpu.wait_dma2 semaphore(%run_scoped3A : memref<!tpu.dma_semaphore, #tpu.memory_space<semaphore_mem>>) src(%dma_wait3A_133 : memref<640xf32, #tpu.memory_space<vmem_shared>>) dst(%dma_wait3A : memref<640xf32, #tpu.memory_space<hbm>>)
      tpu.yield
    }) : () -> ()
    return
  }
}

#map = affine_map<(d0, d1) -> (0, 0)>
#map1 = affine_map<(d0, d1) -> (0, 0, 0)>
module attributes {stable_mosaic.version = 14 : i64} {
  func.func @_sc_agg_body(%arg0: i32, %arg1: i32, %arg2: memref<10000x128xf32, #tpu.memory_space<hbm>>, %arg3: memref<32x80x128xi32, #tpu.memory_space<hbm>>, %arg4: memref<32x80x128xi32, #tpu.memory_space<hbm>>, %arg5: memref<2x10240x128xf32, #tpu.memory_space<hbm>>, %arg6: memref<40x128xi32, #tpu.memory_space<vmem>>, %arg7: memref<40x128xi32, #tpu.memory_space<vmem>>, %arg8: memref<128x128xf32, #tpu.memory_space<vmem>>, %arg9: memref<128x128xf32, #tpu.memory_space<vmem>>, %arg10: memref<10240x128xf32, #tpu.memory_space<vmem_shared>>, %arg11: memref<!tpu.dma_semaphore, #tpu.memory_space<semaphore_mem>>, %arg12: memref<!tpu.dma_semaphore, #tpu.memory_space<semaphore_mem>>) attributes {dimension_semantics = [#tpu.dimension_semantics<core_parallel>, #tpu.dimension_semantics<subcore_parallel>], iteration_bounds = array<i64: 2, 16>, scalar_prefetch = 0 : i64, scratch_operands = 7 : i64, tpu.core_type = #tpu.core_type<sc_vector_subcore>, window_params = [{transform_indices = #map}, {transform_indices = #map1}, {transform_indices = #map1}, {transform_indices = #map1}]} {
    %mul3A = arith.constant 16 : i32
    %mul3A_0 = arith.muli %arg0, %mul3A : i32
    %add3A = arith.addi %mul3A_0, %arg1 : i32
    %mul3A_1 = arith.constant 640 : i32
    %mul3A_2 = arith.muli %arg1, %mul3A_1 : i32
    %scan3A = arith.constant 0 : i32
    %scan3A_3 = arith.constant 0 : i32
    %scan3A_4 = arith.constant 128 : i32
    %scan3A_5 = arith.addi %scan3A_3, %scan3A_4 : i32
    %scan3A_6 = arith.constant 1 : i32
    %scan3A_7 = scf.for %scan3A_61 = %scan3A_3 to %scan3A_5 step %scan3A_6 iter_args(%scan3A_62 = %scan3A) -> (i32)  : i32 {
      %broadcast_in_dim3A = arith.constant 0.000000e+00 : f32
      %broadcast_in_dim3A_63 = vector.broadcast %broadcast_in_dim3A : f32 to vector<16xf32>
      %swap3A = arith.index_cast %scan3A_61 : i32 to index
      %swap3A_64 = arith.constant 0 : index
      %swap3A_65 = tpu.vector_load %arg8[%swap3A, %swap3A_64] {strides = array<i32>} : memref<128x128xf32, #tpu.memory_space<vmem>>, vector<1x16xf32>,
      %swap3A_66 = vector.shape_cast %swap3A_65 : vector<1x16xf32> to vector<16xf32>
      %swap3A_67 = vector.shape_cast %broadcast_in_dim3A_63 : vector<16xf32> to vector<1x16xf32>
      tpu.vector_store %arg8[%swap3A, %swap3A_64], %swap3A_67 {strides = array<i32>} : memref<128x128xf32, #tpu.memory_space<vmem>>, vector<1x16xf32>,
      %broadcast_in_dim3A_68 = arith.constant 0.000000e+00 : f32
      %broadcast_in_dim3A_69 = vector.broadcast %broadcast_in_dim3A_68 : f32 to vector<16xf32>
      %swap3A_70 = arith.index_cast %scan3A_61 : i32 to index
      %swap3A_71 = arith.constant 16 : index
      %swap3A_72 = tpu.vector_load %arg8[%swap3A_70, %swap3A_71] {strides = array<i32>} : memref<128x128xf32, #tpu.memory_space<vmem>>, vector<1x16xf32>,
      %swap3A_73 = vector.shape_cast %swap3A_72 : vector<1x16xf32> to vector<16xf32>
      %swap3A_74 = vector.shape_cast %broadcast_in_dim3A_69 : vector<16xf32> to vector<1x16xf32>
      tpu.vector_store %arg8[%swap3A_70, %swap3A_71], %swap3A_74 {strides = array<i32>} : memref<128x128xf32, #tpu.memory_space<vmem>>, vector<1x16xf32>,
      %broadcast_in_dim3A_75 = arith.constant 0.000000e+00 : f32
      %broadcast_in_dim3A_76 = vector.broadcast %broadcast_in_dim3A_75 : f32 to vector<16xf32>
      %swap3A_77 = arith.index_cast %scan3A_61 : i32 to index
      %swap3A_78 = arith.constant 32 : index
      %swap3A_79 = tpu.vector_load %arg8[%swap3A_77, %swap3A_78] {strides = array<i32>} : memref<128x128xf32, #tpu.memory_space<vmem>>, vector<1x16xf32>,
      %swap3A_80 = vector.shape_cast %swap3A_79 : vector<1x16xf32> to vector<16xf32>
      %swap3A_81 = vector.shape_cast %broadcast_in_dim3A_76 : vector<16xf32> to vector<1x16xf32>
      tpu.vector_store %arg8[%swap3A_77, %swap3A_78], %swap3A_81 {strides = array<i32>} : memref<128x128xf32, #tpu.memory_space<vmem>>, vector<1x16xf32>,
      %broadcast_in_dim3A_82 = arith.constant 0.000000e+00 : f32
      %broadcast_in_dim3A_83 = vector.broadcast %broadcast_in_dim3A_82 : f32 to vector<16xf32>
      %swap3A_84 = arith.index_cast %scan3A_61 : i32 to index
      %swap3A_85 = arith.constant 48 : index
      %swap3A_86 = tpu.vector_load %arg8[%swap3A_84, %swap3A_85] {strides = array<i32>} : memref<128x128xf32, #tpu.memory_space<vmem>>, vector<1x16xf32>,
      %swap3A_87 = vector.shape_cast %swap3A_86 : vector<1x16xf32> to vector<16xf32>
      %swap3A_88 = vector.shape_cast %broadcast_in_dim3A_83 : vector<16xf32> to vector<1x16xf32>
      tpu.vector_store %arg8[%swap3A_84, %swap3A_85], %swap3A_88 {strides = array<i32>} : memref<128x128xf32, #tpu.memory_space<vmem>>, vector<1x16xf32>,
      %broadcast_in_dim3A_89 = arith.constant 0.000000e+00 : f32
      %broadcast_in_dim3A_90 = vector.broadcast %broadcast_in_dim3A_89 : f32 to vector<16xf32>
      %swap3A_91 = arith.index_cast %scan3A_61 : i32 to index
      %swap3A_92 = arith.constant 64 : index
      %swap3A_93 = tpu.vector_load %arg8[%swap3A_91, %swap3A_92] {strides = array<i32>} : memref<128x128xf32, #tpu.memory_space<vmem>>, vector<1x16xf32>,
      %swap3A_94 = vector.shape_cast %swap3A_93 : vector<1x16xf32> to vector<16xf32>
      %swap3A_95 = vector.shape_cast %broadcast_in_dim3A_90 : vector<16xf32> to vector<1x16xf32>
      tpu.vector_store %arg8[%swap3A_91, %swap3A_92], %swap3A_95 {strides = array<i32>} : memref<128x128xf32, #tpu.memory_space<vmem>>, vector<1x16xf32>,
      %broadcast_in_dim3A_96 = arith.constant 0.000000e+00 : f32
      %broadcast_in_dim3A_97 = vector.broadcast %broadcast_in_dim3A_96 : f32 to vector<16xf32>
      %swap3A_98 = arith.index_cast %scan3A_61 : i32 to index
      %swap3A_99 = arith.constant 80 : index
      %swap3A_100 = tpu.vector_load %arg8[%swap3A_98, %swap3A_99] {strides = array<i32>} : memref<128x128xf32, #tpu.memory_space<vmem>>, vector<1x16xf32>,
      %swap3A_101 = vector.shape_cast %swap3A_100 : vector<1x16xf32> to vector<16xf32>
      %swap3A_102 = vector.shape_cast %broadcast_in_dim3A_97 : vector<16xf32> to vector<1x16xf32>
      tpu.vector_store %arg8[%swap3A_98, %swap3A_99], %swap3A_102 {strides = array<i32>} : memref<128x128xf32, #tpu.memory_space<vmem>>, vector<1x16xf32>,
      %broadcast_in_dim3A_103 = arith.constant 0.000000e+00 : f32
      %broadcast_in_dim3A_104 = vector.broadcast %broadcast_in_dim3A_103 : f32 to vector<16xf32>
      %swap3A_105 = arith.index_cast %scan3A_61 : i32 to index
      %swap3A_106 = arith.constant 96 : index
      %swap3A_107 = tpu.vector_load %arg8[%swap3A_105, %swap3A_106] {strides = array<i32>} : memref<128x128xf32, #tpu.memory_space<vmem>>, vector<1x16xf32>,
      %swap3A_108 = vector.shape_cast %swap3A_107 : vector<1x16xf32> to vector<16xf32>
      %swap3A_109 = vector.shape_cast %broadcast_in_dim3A_104 : vector<16xf32> to vector<1x16xf32>
      tpu.vector_store %arg8[%swap3A_105, %swap3A_106], %swap3A_109 {strides = array<i32>} : memref<128x128xf32, #tpu.memory_space<vmem>>, vector<1x16xf32>,
      %broadcast_in_dim3A_110 = arith.constant 0.000000e+00 : f32
      %broadcast_in_dim3A_111 = vector.broadcast %broadcast_in_dim3A_110 : f32 to vector<16xf32>
      %swap3A_112 = arith.index_cast %scan3A_61 : i32 to index
      %swap3A_113 = arith.constant 112 : index
      %swap3A_114 = tpu.vector_load %arg8[%swap3A_112, %swap3A_113] {strides = array<i32>} : memref<128x128xf32, #tpu.memory_space<vmem>>, vector<1x16xf32>,
      %swap3A_115 = vector.shape_cast %swap3A_114 : vector<1x16xf32> to vector<16xf32>
      %swap3A_116 = vector.shape_cast %broadcast_in_dim3A_111 : vector<16xf32> to vector<1x16xf32>
      tpu.vector_store %arg8[%swap3A_112, %swap3A_113], %swap3A_116 {strides = array<i32>} : memref<128x128xf32, #tpu.memory_space<vmem>>, vector<1x16xf32>,
      %scan3A_117 = arith.constant 0 : i32
      scf.yield %scan3A_117 : i32
    }
    %scan3A_8 = arith.constant 128 : i32
    %add3A_9 = arith.constant 0 : i32
    %add3A_10 = arith.addi %mul3A_2, %add3A_9 : i32
    "tpu.region"() ({
      %run_scoped3A = tpu.sem_alloc : memref<!tpu.dma_semaphore, #tpu.memory_space<semaphore_mem>>
      %dma_start3A_61 = arith.constant 0 : i32
      %dma_start3A_62 = tpu.memref_slice %arg10[%add3A_10, %dma_start3A_61] : memref<10240x128xf32, #tpu.memory_space<vmem_shared>> -> memref<128x128xf32, #tpu.memory_space<vmem_shared>>
      %dma_start3A_63 = arith.constant 0 : i32
      %dma_start3A_64 = tpu.memref_slice %arg10[%add3A_10, %dma_start3A_63] : memref<10240x128xf32, #tpu.memory_space<vmem_shared>> -> memref<128x128xf32, #tpu.memory_space<vmem_shared>>
      tpu.enqueue_dma source(%arg8 : memref<128x128xf32, #tpu.memory_space<vmem>>) target(%dma_start3A_64 : memref<128x128xf32, #tpu.memory_space<vmem_shared>>) target_semaphore(%run_scoped3A : memref<!tpu.dma_semaphore, #tpu.memory_space<semaphore_mem>>)
      %dma_wait3A = arith.constant 0 : i32
      %dma_wait3A_65 = tpu.memref_slice %arg10[%add3A_10, %dma_wait3A] : memref<10240x128xf32, #tpu.memory_space<vmem_shared>> -> memref<128x128xf32, #tpu.memory_space<vmem_shared>>
      %dma_wait3A_66 = arith.constant 0 : i32
      %dma_wait3A_67 = tpu.memref_slice %arg10[%add3A_10, %dma_wait3A_66] : memref<10240x128xf32, #tpu.memory_space<vmem_shared>> -> memref<128x128xf32, #tpu.memory_space<vmem_shared>>
      tpu.wait_dma2 semaphore(%run_scoped3A : memref<!tpu.dma_semaphore, #tpu.memory_space<semaphore_mem>>) src(%arg8 : memref<128x128xf32, #tpu.memory_space<vmem>>) dst(%dma_wait3A_67 : memref<128x128xf32, #tpu.memory_space<vmem_shared>>)
      tpu.yield
    }) : () -> ()
    %add3A_11 = arith.constant 128 : i32
    %add3A_12 = arith.addi %mul3A_2, %add3A_11 : i32
    "tpu.region"() ({
      %run_scoped3A = tpu.sem_alloc : memref<!tpu.dma_semaphore, #tpu.memory_space<semaphore_mem>>
      %dma_start3A_61 = arith.constant 0 : i32
      %dma_start3A_62 = tpu.memref_slice %arg10[%add3A_12, %dma_start3A_61] : memref<10240x128xf32, #tpu.memory_space<vmem_shared>> -> memref<128x128xf32, #tpu.memory_space<vmem_shared>>
      %dma_start3A_63 = arith.constant 0 : i32
      %dma_start3A_64 = tpu.memref_slice %arg10[%add3A_12, %dma_start3A_63] : memref<10240x128xf32, #tpu.memory_space<vmem_shared>> -> memref<128x128xf32, #tpu.memory_space<vmem_shared>>
      tpu.enqueue_dma source(%arg8 : memref<128x128xf32, #tpu.memory_space<vmem>>) target(%dma_start3A_64 : memref<128x128xf32, #tpu.memory_space<vmem_shared>>) target_semaphore(%run_scoped3A : memref<!tpu.dma_semaphore, #tpu.memory_space<semaphore_mem>>)
      %dma_wait3A = arith.constant 0 : i32
      %dma_wait3A_65 = tpu.memref_slice %arg10[%add3A_12, %dma_wait3A] : memref<10240x128xf32, #tpu.memory_space<vmem_shared>> -> memref<128x128xf32, #tpu.memory_space<vmem_shared>>
      %dma_wait3A_66 = arith.constant 0 : i32
      %dma_wait3A_67 = tpu.memref_slice %arg10[%add3A_12, %dma_wait3A_66] : memref<10240x128xf32, #tpu.memory_space<vmem_shared>> -> memref<128x128xf32, #tpu.memory_space<vmem_shared>>
      tpu.wait_dma2 semaphore(%run_scoped3A : memref<!tpu.dma_semaphore, #tpu.memory_space<semaphore_mem>>) src(%arg8 : memref<128x128xf32, #tpu.memory_space<vmem>>) dst(%dma_wait3A_67 : memref<128x128xf32, #tpu.memory_space<vmem_shared>>)
      tpu.yield
    }) : () -> ()
    %add3A_13 = arith.constant 256 : i32
    %add3A_14 = arith.addi %mul3A_2, %add3A_13 : i32
    "tpu.region"() ({
      %run_scoped3A = tpu.sem_alloc : memref<!tpu.dma_semaphore, #tpu.memory_space<semaphore_mem>>
      %dma_start3A_61 = arith.constant 0 : i32
      %dma_start3A_62 = tpu.memref_slice %arg10[%add3A_14, %dma_start3A_61] : memref<10240x128xf32, #tpu.memory_space<vmem_shared>> -> memref<128x128xf32, #tpu.memory_space<vmem_shared>>
      %dma_start3A_63 = arith.constant 0 : i32
      %dma_start3A_64 = tpu.memref_slice %arg10[%add3A_14, %dma_start3A_63] : memref<10240x128xf32, #tpu.memory_space<vmem_shared>> -> memref<128x128xf32, #tpu.memory_space<vmem_shared>>
      tpu.enqueue_dma source(%arg8 : memref<128x128xf32, #tpu.memory_space<vmem>>) target(%dma_start3A_64 : memref<128x128xf32, #tpu.memory_space<vmem_shared>>) target_semaphore(%run_scoped3A : memref<!tpu.dma_semaphore, #tpu.memory_space<semaphore_mem>>)
      %dma_wait3A = arith.constant 0 : i32
      %dma_wait3A_65 = tpu.memref_slice %arg10[%add3A_14, %dma_wait3A] : memref<10240x128xf32, #tpu.memory_space<vmem_shared>> -> memref<128x128xf32, #tpu.memory_space<vmem_shared>>
      %dma_wait3A_66 = arith.constant 0 : i32
      %dma_wait3A_67 = tpu.memref_slice %arg10[%add3A_14, %dma_wait3A_66] : memref<10240x128xf32, #tpu.memory_space<vmem_shared>> -> memref<128x128xf32, #tpu.memory_space<vmem_shared>>
      tpu.wait_dma2 semaphore(%run_scoped3A : memref<!tpu.dma_semaphore, #tpu.memory_space<semaphore_mem>>) src(%arg8 : memref<128x128xf32, #tpu.memory_space<vmem>>) dst(%dma_wait3A_67 : memref<128x128xf32, #tpu.memory_space<vmem_shared>>)
      tpu.yield
    }) : () -> ()
    %add3A_15 = arith.constant 384 : i32
    %add3A_16 = arith.addi %mul3A_2, %add3A_15 : i32
    "tpu.region"() ({
      %run_scoped3A = tpu.sem_alloc : memref<!tpu.dma_semaphore, #tpu.memory_space<semaphore_mem>>
      %dma_start3A_61 = arith.constant 0 : i32
      %dma_start3A_62 = tpu.memref_slice %arg10[%add3A_16, %dma_start3A_61] : memref<10240x128xf32, #tpu.memory_space<vmem_shared>> -> memref<128x128xf32, #tpu.memory_space<vmem_shared>>
      %dma_start3A_63 = arith.constant 0 : i32
      %dma_start3A_64 = tpu.memref_slice %arg10[%add3A_16, %dma_start3A_63] : memref<10240x128xf32, #tpu.memory_space<vmem_shared>> -> memref<128x128xf32, #tpu.memory_space<vmem_shared>>
      tpu.enqueue_dma source(%arg8 : memref<128x128xf32, #tpu.memory_space<vmem>>) target(%dma_start3A_64 : memref<128x128xf32, #tpu.memory_space<vmem_shared>>) target_semaphore(%run_scoped3A : memref<!tpu.dma_semaphore, #tpu.memory_space<semaphore_mem>>)
      %dma_wait3A = arith.constant 0 : i32
      %dma_wait3A_65 = tpu.memref_slice %arg10[%add3A_16, %dma_wait3A] : memref<10240x128xf32, #tpu.memory_space<vmem_shared>> -> memref<128x128xf32, #tpu.memory_space<vmem_shared>>
      %dma_wait3A_66 = arith.constant 0 : i32
      %dma_wait3A_67 = tpu.memref_slice %arg10[%add3A_16, %dma_wait3A_66] : memref<10240x128xf32, #tpu.memory_space<vmem_shared>> -> memref<128x128xf32, #tpu.memory_space<vmem_shared>>
      tpu.wait_dma2 semaphore(%run_scoped3A : memref<!tpu.dma_semaphore, #tpu.memory_space<semaphore_mem>>) src(%arg8 : memref<128x128xf32, #tpu.memory_space<vmem>>) dst(%dma_wait3A_67 : memref<128x128xf32, #tpu.memory_space<vmem_shared>>)
      tpu.yield
    }) : () -> ()
    %add3A_17 = arith.constant 512 : i32
    %add3A_18 = arith.addi %mul3A_2, %add3A_17 : i32
    "tpu.region"() ({
      %run_scoped3A = tpu.sem_alloc : memref<!tpu.dma_semaphore, #tpu.memory_space<semaphore_mem>>
      %dma_start3A_61 = arith.constant 0 : i32
      %dma_start3A_62 = tpu.memref_slice %arg10[%add3A_18, %dma_start3A_61] : memref<10240x128xf32, #tpu.memory_space<vmem_shared>> -> memref<128x128xf32, #tpu.memory_space<vmem_shared>>
      %dma_start3A_63 = arith.constant 0 : i32
      %dma_start3A_64 = tpu.memref_slice %arg10[%add3A_18, %dma_start3A_63] : memref<10240x128xf32, #tpu.memory_space<vmem_shared>> -> memref<128x128xf32, #tpu.memory_space<vmem_shared>>
      tpu.enqueue_dma source(%arg8 : memref<128x128xf32, #tpu.memory_space<vmem>>) target(%dma_start3A_64 : memref<128x128xf32, #tpu.memory_space<vmem_shared>>) target_semaphore(%run_scoped3A : memref<!tpu.dma_semaphore, #tpu.memory_space<semaphore_mem>>)
      %dma_wait3A = arith.constant 0 : i32
      %dma_wait3A_65 = tpu.memref_slice %arg10[%add3A_18, %dma_wait3A] : memref<10240x128xf32, #tpu.memory_space<vmem_shared>> -> memref<128x128xf32, #tpu.memory_space<vmem_shared>>
      %dma_wait3A_66 = arith.constant 0 : i32
      %dma_wait3A_67 = tpu.memref_slice %arg10[%add3A_18, %dma_wait3A_66] : memref<10240x128xf32, #tpu.memory_space<vmem_shared>> -> memref<128x128xf32, #tpu.memory_space<vmem_shared>>
      tpu.wait_dma2 semaphore(%run_scoped3A : memref<!tpu.dma_semaphore, #tpu.memory_space<semaphore_mem>>) src(%arg8 : memref<128x128xf32, #tpu.memory_space<vmem>>) dst(%dma_wait3A_67 : memref<128x128xf32, #tpu.memory_space<vmem_shared>>)
      tpu.yield
    }) : () -> ()
    %barrier3A = arith.constant 0 : index
    tpu.barrier barrier_id(%barrier3A)
    "tpu.region"() ({
      %run_scoped3A = tpu.sem_alloc : memref<!tpu.dma_semaphore, #tpu.memory_space<semaphore_mem>>
      %dma_start3A_61 = arith.constant 0 : i32
      %dma_start3A_62 = arith.constant 0 : i32
      %dma_start3A_63 = tpu.memref_slice %arg3[%add3A, %dma_start3A_61, %dma_start3A_62] : memref<32x80x128xi32, #tpu.memory_space<hbm>> -> memref<1x40x128xi32, #tpu.memory_space<hbm>>
      %dma_start3A_64 = tpu.memref_squeeze %dma_start3A_63 : memref<1x40x128xi32, #tpu.memory_space<hbm>> -> memref<40x128xi32, #tpu.memory_space<hbm>>
      %dma_start3A_65 = arith.constant 0 : i32
      %dma_start3A_66 = arith.constant 0 : i32
      %dma_start3A_67 = tpu.memref_slice %arg3[%add3A, %dma_start3A_65, %dma_start3A_66] : memref<32x80x128xi32, #tpu.memory_space<hbm>> -> memref<1x40x128xi32, #tpu.memory_space<hbm>>
      %dma_start3A_68 = tpu.memref_squeeze %dma_start3A_67 : memref<1x40x128xi32, #tpu.memory_space<hbm>> -> memref<40x128xi32, #tpu.memory_space<hbm>>
      tpu.enqueue_dma source(%dma_start3A_68 : memref<40x128xi32, #tpu.memory_space<hbm>>) target(%arg6 : memref<40x128xi32, #tpu.memory_space<vmem>>) target_semaphore(%run_scoped3A : memref<!tpu.dma_semaphore, #tpu.memory_space<semaphore_mem>>)
      %dma_wait3A = arith.constant 0 : i32
      %dma_wait3A_69 = arith.constant 0 : i32
      %dma_wait3A_70 = tpu.memref_slice %arg3[%add3A, %dma_wait3A, %dma_wait3A_69] : memref<32x80x128xi32, #tpu.memory_space<hbm>> -> memref<1x40x128xi32, #tpu.memory_space<hbm>>
      %dma_wait3A_71 = tpu.memref_squeeze %dma_wait3A_70 : memref<1x40x128xi32, #tpu.memory_space<hbm>> -> memref<40x128xi32, #tpu.memory_space<hbm>>
      %dma_wait3A_72 = arith.constant 0 : i32
      %dma_wait3A_73 = arith.constant 0 : i32
      %dma_wait3A_74 = tpu.memref_slice %arg3[%add3A, %dma_wait3A_72, %dma_wait3A_73] : memref<32x80x128xi32, #tpu.memory_space<hbm>> -> memref<1x40x128xi32, #tpu.memory_space<hbm>>
      %dma_wait3A_75 = tpu.memref_squeeze %dma_wait3A_74 : memref<1x40x128xi32, #tpu.memory_space<hbm>> -> memref<40x128xi32, #tpu.memory_space<hbm>>
      tpu.wait_dma2 semaphore(%run_scoped3A : memref<!tpu.dma_semaphore, #tpu.memory_space<semaphore_mem>>) src(%dma_wait3A_75 : memref<40x128xi32, #tpu.memory_space<hbm>>) dst(%arg6 : memref<40x128xi32, #tpu.memory_space<vmem>>)
      tpu.yield
    }) : () -> ()
    "tpu.region"() ({
      %run_scoped3A = tpu.sem_alloc : memref<!tpu.dma_semaphore, #tpu.memory_space<semaphore_mem>>
      %dma_start3A_61 = arith.constant 0 : i32
      %dma_start3A_62 = arith.constant 0 : i32
      %dma_start3A_63 = tpu.memref_slice %arg4[%add3A, %dma_start3A_61, %dma_start3A_62] : memref<32x80x128xi32, #tpu.memory_space<hbm>> -> memref<1x40x128xi32, #tpu.memory_space<hbm>>
      %dma_start3A_64 = tpu.memref_squeeze %dma_start3A_63 : memref<1x40x128xi32, #tpu.memory_space<hbm>> -> memref<40x128xi32, #tpu.memory_space<hbm>>
      %dma_start3A_65 = arith.constant 0 : i32
      %dma_start3A_66 = arith.constant 0 : i32
      %dma_start3A_67 = tpu.memref_slice %arg4[%add3A, %dma_start3A_65, %dma_start3A_66] : memref<32x80x128xi32, #tpu.memory_space<hbm>> -> memref<1x40x128xi32, #tpu.memory_space<hbm>>
      %dma_start3A_68 = tpu.memref_squeeze %dma_start3A_67 : memref<1x40x128xi32, #tpu.memory_space<hbm>> -> memref<40x128xi32, #tpu.memory_space<hbm>>
      tpu.enqueue_dma source(%dma_start3A_68 : memref<40x128xi32, #tpu.memory_space<hbm>>) target(%arg7 : memref<40x128xi32, #tpu.memory_space<vmem>>) target_semaphore(%run_scoped3A : memref<!tpu.dma_semaphore, #tpu.memory_space<semaphore_mem>>)
      %dma_wait3A = arith.constant 0 : i32
      %dma_wait3A_69 = arith.constant 0 : i32
      %dma_wait3A_70 = tpu.memref_slice %arg4[%add3A, %dma_wait3A, %dma_wait3A_69] : memref<32x80x128xi32, #tpu.memory_space<hbm>> -> memref<1x40x128xi32, #tpu.memory_space<hbm>>
      %dma_wait3A_71 = tpu.memref_squeeze %dma_wait3A_70 : memref<1x40x128xi32, #tpu.memory_space<hbm>> -> memref<40x128xi32, #tpu.memory_space<hbm>>
      %dma_wait3A_72 = arith.constant 0 : i32
      %dma_wait3A_73 = arith.constant 0 : i32
      %dma_wait3A_74 = tpu.memref_slice %arg4[%add3A, %dma_wait3A_72, %dma_wait3A_73] : memref<32x80x128xi32, #tpu.memory_space<hbm>> -> memref<1x40x128xi32, #tpu.memory_space<hbm>>
      %dma_wait3A_75 = tpu.memref_squeeze %dma_wait3A_74 : memref<1x40x128xi32, #tpu.memory_space<hbm>> -> memref<40x128xi32, #tpu.memory_space<hbm>>
      tpu.wait_dma2 semaphore(%run_scoped3A : memref<!tpu.dma_semaphore, #tpu.memory_space<semaphore_mem>>) src(%dma_wait3A_75 : memref<40x128xi32, #tpu.memory_space<hbm>>) dst(%arg7 : memref<40x128xi32, #tpu.memory_space<vmem>>)
      tpu.yield
    }) : () -> ()
    %dma_start3A = arith.constant 0 : i32
    %dma_start3A_19 = arith.constant 0 : i32
    %dma_start3A_20 = tpu.memref_slice %arg6[%dma_start3A, %dma_start3A_19] : memref<40x128xi32, #tpu.memory_space<vmem>> -> memref<1x128xi32, #tpu.memory_space<vmem>>
    %dma_start3A_21 = tpu.memref_squeeze %dma_start3A_20 : memref<1x128xi32, #tpu.memory_space<vmem>> -> memref<128xi32, #tpu.memory_space<vmem>>
    %dma_start3A_22 = arith.constant 0 : i32
    %dma_start3A_23 = arith.constant 0 : i32
    %dma_start3A_24 = tpu.memref_slice %arg2[%dma_start3A_22, %dma_start3A_23] : memref<10000x128xf32, #tpu.memory_space<hbm>> -> memref<10000x128xf32, #tpu.memory_space<hbm>>
    tpu.enqueue_indirect_dma source(%dma_start3A_24 : memref<10000x128xf32, #tpu.memory_space<hbm>>) target(%arg8 : memref<128x128xf32, #tpu.memory_space<vmem>>) offsets(%dma_start3A_21 : memref<128xi32, #tpu.memory_space<vmem>>) semaphore(%arg11 : memref<!tpu.dma_semaphore, #tpu.memory_space<semaphore_mem>>)
    %dma_start3A_25 = arith.constant 1 : i32
    %dma_start3A_26 = arith.constant 0 : i32
    %dma_start3A_27 = tpu.memref_slice %arg6[%dma_start3A_25, %dma_start3A_26] : memref<40x128xi32, #tpu.memory_space<vmem>> -> memref<1x128xi32, #tpu.memory_space<vmem>>
    %dma_start3A_28 = tpu.memref_squeeze %dma_start3A_27 : memref<1x128xi32, #tpu.memory_space<vmem>> -> memref<128xi32, #tpu.memory_space<vmem>>
    %dma_start3A_29 = arith.constant 0 : i32
    %dma_start3A_30 = arith.constant 0 : i32
    %dma_start3A_31 = tpu.memref_slice %arg2[%dma_start3A_29, %dma_start3A_30] : memref<10000x128xf32, #tpu.memory_space<hbm>> -> memref<10000x128xf32, #tpu.memory_space<hbm>>
    tpu.enqueue_indirect_dma source(%dma_start3A_31 : memref<10000x128xf32, #tpu.memory_space<hbm>>) target(%arg9 : memref<128x128xf32, #tpu.memory_space<vmem>>) offsets(%dma_start3A_28 : memref<128xi32, #tpu.memory_space<vmem>>) semaphore(%arg12 : memref<!tpu.dma_semaphore, #tpu.memory_space<semaphore_mem>>)
    %scan3A_32 = arith.constant 0 : i32
    %scan3A_33 = arith.constant 0 : i32
    %scan3A_34 = arith.constant 20 : i32
    %scan3A_35 = arith.addi %scan3A_33, %scan3A_34 : i32
    %scan3A_36 = arith.constant 1 : i32
    %scan3A_37 = scf.for %scan3A_61 = %scan3A_33 to %scan3A_35 step %scan3A_36 iter_args(%scan3A_62 = %scan3A_32) -> (i32)  : i32 {
      %mul3A_63 = arith.constant 2 : i32
      %mul3A_64 = arith.muli %scan3A_61, %mul3A_63 : i32
      %add3A_65 = arith.constant 0 : i32
      %add3A_66 = arith.addi %mul3A_64, %add3A_65 : i32
      %dma_wait3A = arith.constant 0 : i32
      %dma_wait3A_67 = tpu.memref_slice %arg6[%add3A_66, %dma_wait3A] : memref<40x128xi32, #tpu.memory_space<vmem>> -> memref<1x128xi32, #tpu.memory_space<vmem>>
      %dma_wait3A_68 = tpu.memref_squeeze %dma_wait3A_67 : memref<1x128xi32, #tpu.memory_space<vmem>> -> memref<128xi32, #tpu.memory_space<vmem>>
      %dma_wait3A_69 = arith.constant 0 : i32
      %dma_wait3A_70 = arith.constant 0 : i32
      %dma_wait3A_71 = tpu.memref_slice %arg2[%dma_wait3A_69, %dma_wait3A_70] : memref<10000x128xf32, #tpu.memory_space<hbm>> -> memref<10000x128xf32, #tpu.memory_space<hbm>>
      tpu.wait_indirect_dma semaphore(%arg11 : memref<!tpu.dma_semaphore, #tpu.memory_space<semaphore_mem>>) src(%dma_wait3A_71 : memref<10000x128xf32, #tpu.memory_space<hbm>>) dst(%arg8 : memref<128x128xf32, #tpu.memory_space<vmem>>)
      %add3A_72 = arith.constant 0 : i32
      %add3A_73 = arith.addi %mul3A_64, %add3A_72 : i32
      "tpu.region"() ({
        %run_scoped3A = tpu.sem_alloc : memref<!tpu.dma_semaphore, #tpu.memory_space<semaphore_mem>>
        %dma_start3A_100 = arith.constant 0 : i32
        %dma_start3A_101 = tpu.memref_slice %arg7[%add3A_73, %dma_start3A_100] : memref<40x128xi32, #tpu.memory_space<vmem>> -> memref<1x128xi32, #tpu.memory_space<vmem>>
        %dma_start3A_102 = tpu.memref_squeeze %dma_start3A_101 : memref<1x128xi32, #tpu.memory_space<vmem>> -> memref<128xi32, #tpu.memory_space<vmem>>
        %dma_start3A_103 = arith.constant 0 : i32
        %dma_start3A_104 = arith.constant 0 : i32
        %dma_start3A_105 = tpu.memref_slice %arg10[%dma_start3A_103, %dma_start3A_104] : memref<10240x128xf32, #tpu.memory_space<vmem_shared>> -> memref<10240x128xf32, #tpu.memory_space<vmem_shared>>
        tpu.enqueue_indirect_dma source(%arg8 : memref<128x128xf32, #tpu.memory_space<vmem>>) target(%dma_start3A_105 : memref<10240x128xf32, #tpu.memory_space<vmem_shared>>) offsets(%dma_start3A_102 : memref<128xi32, #tpu.memory_space<vmem>>) semaphore(%run_scoped3A : memref<!tpu.dma_semaphore, #tpu.memory_space<semaphore_mem>>) {add = true}
        %dma_wait3A_106 = arith.constant 0 : i32
        %dma_wait3A_107 = tpu.memref_slice %arg7[%add3A_73, %dma_wait3A_106] : memref<40x128xi32, #tpu.memory_space<vmem>> -> memref<1x128xi32, #tpu.memory_space<vmem>>
        %dma_wait3A_108 = tpu.memref_squeeze %dma_wait3A_107 : memref<1x128xi32, #tpu.memory_space<vmem>> -> memref<128xi32, #tpu.memory_space<vmem>>
        %dma_wait3A_109 = arith.constant 0 : i32
        %dma_wait3A_110 = arith.constant 0 : i32
        %dma_wait3A_111 = tpu.memref_slice %arg10[%dma_wait3A_109, %dma_wait3A_110] : memref<10240x128xf32, #tpu.memory_space<vmem_shared>> -> memref<10240x128xf32, #tpu.memory_space<vmem_shared>>
        tpu.wait_indirect_dma semaphore(%run_scoped3A : memref<!tpu.dma_semaphore, #tpu.memory_space<semaphore_mem>>) src(%arg8 : memref<128x128xf32, #tpu.memory_space<vmem>>) dst(%dma_wait3A_111 : memref<10240x128xf32, #tpu.memory_space<vmem_shared>>)
        tpu.yield
      }) : () -> ()
      %add3A_74 = arith.constant 0 : i32
      %add3A_75 = arith.addi %mul3A_64, %add3A_74 : i32
      %add3A_76 = arith.constant 2 : i32
      %add3A_77 = arith.addi %add3A_75, %add3A_76 : i32
      %lt3A = arith.constant 40 : i32
      %lt3A_78 = arith.cmpi slt, %add3A_77, %lt3A : i32
      %convert_element_type3A = arith.extui %lt3A_78 : i1 to i32
      %cond3A = arith.constant 0 : i32
      %cond3A_79 = arith.cmpi ne, %convert_element_type3A, %cond3A : i32
      scf.if %cond3A_79 {
        %add3A_100 = arith.constant 0 : i32
        %add3A_101 = arith.addi %mul3A_64, %add3A_100 : i32
        %add3A_102 = arith.constant 2 : i32
        %add3A_103 = arith.addi %add3A_101, %add3A_102 : i32
        %dma_start3A_104 = arith.constant 0 : i32
        %dma_start3A_105 = tpu.memref_slice %arg6[%add3A_103, %dma_start3A_104] : memref<40x128xi32, #tpu.memory_space<vmem>> -> memref<1x128xi32, #tpu.memory_space<vmem>>
        %dma_start3A_106 = tpu.memref_squeeze %dma_start3A_105 : memref<1x128xi32, #tpu.memory_space<vmem>> -> memref<128xi32, #tpu.memory_space<vmem>>
        %dma_start3A_107 = arith.constant 0 : i32
        %dma_start3A_108 = arith.constant 0 : i32
        %dma_start3A_109 = tpu.memref_slice %arg2[%dma_start3A_107, %dma_start3A_108] : memref<10000x128xf32, #tpu.memory_space<hbm>> -> memref<10000x128xf32, #tpu.memory_space<hbm>>
        tpu.enqueue_indirect_dma source(%dma_start3A_109 : memref<10000x128xf32, #tpu.memory_space<hbm>>) target(%arg8 : memref<128x128xf32, #tpu.memory_space<vmem>>) offsets(%dma_start3A_106 : memref<128xi32, #tpu.memory_space<vmem>>) semaphore(%arg11 : memref<!tpu.dma_semaphore, #tpu.memory_space<semaphore_mem>>)
      } else {
      }
      %add3A_80 = arith.constant 1 : i32
      %add3A_81 = arith.addi %mul3A_64, %add3A_80 : i32
      %dma_wait3A_82 = arith.constant 0 : i32
      %dma_wait3A_83 = tpu.memref_slice %arg6[%add3A_81, %dma_wait3A_82] : memref<40x128xi32, #tpu.memory_space<vmem>> -> memref<1x128xi32, #tpu.memory_space<vmem>>
      %dma_wait3A_84 = tpu.memref_squeeze %dma_wait3A_83 : memref<1x128xi32, #tpu.memory_space<vmem>> -> memref<128xi32, #tpu.memory_space<vmem>>
      %dma_wait3A_85 = arith.constant 0 : i32
      %dma_wait3A_86 = arith.constant 0 : i32
      %dma_wait3A_87 = tpu.memref_slice %arg2[%dma_wait3A_85, %dma_wait3A_86] : memref<10000x128xf32, #tpu.memory_space<hbm>> -> memref<10000x128xf32, #tpu.memory_space<hbm>>
      tpu.wait_indirect_dma semaphore(%arg12 : memref<!tpu.dma_semaphore, #tpu.memory_space<semaphore_mem>>) src(%dma_wait3A_87 : memref<10000x128xf32, #tpu.memory_space<hbm>>) dst(%arg9 : memref<128x128xf32, #tpu.memory_space<vmem>>)
      %add3A_88 = arith.constant 1 : i32
      %add3A_89 = arith.addi %mul3A_64, %add3A_88 : i32
      "tpu.region"() ({
        %run_scoped3A = tpu.sem_alloc : memref<!tpu.dma_semaphore, #tpu.memory_space<semaphore_mem>>
        %dma_start3A_100 = arith.constant 0 : i32
        %dma_start3A_101 = tpu.memref_slice %arg7[%add3A_89, %dma_start3A_100] : memref<40x128xi32, #tpu.memory_space<vmem>> -> memref<1x128xi32, #tpu.memory_space<vmem>>
        %dma_start3A_102 = tpu.memref_squeeze %dma_start3A_101 : memref<1x128xi32, #tpu.memory_space<vmem>> -> memref<128xi32, #tpu.memory_space<vmem>>
        %dma_start3A_103 = arith.constant 0 : i32
        %dma_start3A_104 = arith.constant 0 : i32
        %dma_start3A_105 = tpu.memref_slice %arg10[%dma_start3A_103, %dma_start3A_104] : memref<10240x128xf32, #tpu.memory_space<vmem_shared>> -> memref<10240x128xf32, #tpu.memory_space<vmem_shared>>
        tpu.enqueue_indirect_dma source(%arg9 : memref<128x128xf32, #tpu.memory_space<vmem>>) target(%dma_start3A_105 : memref<10240x128xf32, #tpu.memory_space<vmem_shared>>) offsets(%dma_start3A_102 : memref<128xi32, #tpu.memory_space<vmem>>) semaphore(%run_scoped3A : memref<!tpu.dma_semaphore, #tpu.memory_space<semaphore_mem>>) {add = true}
        %dma_wait3A_106 = arith.constant 0 : i32
        %dma_wait3A_107 = tpu.memref_slice %arg7[%add3A_89, %dma_wait3A_106] : memref<40x128xi32, #tpu.memory_space<vmem>> -> memref<1x128xi32, #tpu.memory_space<vmem>>
        %dma_wait3A_108 = tpu.memref_squeeze %dma_wait3A_107 : memref<1x128xi32, #tpu.memory_space<vmem>> -> memref<128xi32, #tpu.memory_space<vmem>>
        %dma_wait3A_109 = arith.constant 0 : i32
        %dma_wait3A_110 = arith.constant 0 : i32
        %dma_wait3A_111 = tpu.memref_slice %arg10[%dma_wait3A_109, %dma_wait3A_110] : memref<10240x128xf32, #tpu.memory_space<vmem_shared>> -> memref<10240x128xf32, #tpu.memory_space<vmem_shared>>
        tpu.wait_indirect_dma semaphore(%run_scoped3A : memref<!tpu.dma_semaphore, #tpu.memory_space<semaphore_mem>>) src(%arg9 : memref<128x128xf32, #tpu.memory_space<vmem>>) dst(%dma_wait3A_111 : memref<10240x128xf32, #tpu.memory_space<vmem_shared>>)
        tpu.yield
      }) : () -> ()
      %add3A_90 = arith.constant 1 : i32
      %add3A_91 = arith.addi %mul3A_64, %add3A_90 : i32
      %add3A_92 = arith.constant 2 : i32
      %add3A_93 = arith.addi %add3A_91, %add3A_92 : i32
      %lt3A_94 = arith.constant 40 : i32
      %lt3A_95 = arith.cmpi slt, %add3A_93, %lt3A_94 : i32
      %convert_element_type3A_96 = arith.extui %lt3A_95 : i1 to i32
      %cond3A_97 = arith.constant 0 : i32
      %cond3A_98 = arith.cmpi ne, %convert_element_type3A_96, %cond3A_97 : i32
      scf.if %cond3A_98 {
        %add3A_100 = arith.constant 1 : i32
        %add3A_101 = arith.addi %mul3A_64, %add3A_100 : i32
        %add3A_102 = arith.constant 2 : i32
        %add3A_103 = arith.addi %add3A_101, %add3A_102 : i32
        %dma_start3A_104 = arith.constant 0 : i32
        %dma_start3A_105 = tpu.memref_slice %arg6[%add3A_103, %dma_start3A_104] : memref<40x128xi32, #tpu.memory_space<vmem>> -> memref<1x128xi32, #tpu.memory_space<vmem>>
        %dma_start3A_106 = tpu.memref_squeeze %dma_start3A_105 : memref<1x128xi32, #tpu.memory_space<vmem>> -> memref<128xi32, #tpu.memory_space<vmem>>
        %dma_start3A_107 = arith.constant 0 : i32
        %dma_start3A_108 = arith.constant 0 : i32
        %dma_start3A_109 = tpu.memref_slice %arg2[%dma_start3A_107, %dma_start3A_108] : memref<10000x128xf32, #tpu.memory_space<hbm>> -> memref<10000x128xf32, #tpu.memory_space<hbm>>
        tpu.enqueue_indirect_dma source(%dma_start3A_109 : memref<10000x128xf32, #tpu.memory_space<hbm>>) target(%arg9 : memref<128x128xf32, #tpu.memory_space<vmem>>) offsets(%dma_start3A_106 : memref<128xi32, #tpu.memory_space<vmem>>) semaphore(%arg12 : memref<!tpu.dma_semaphore, #tpu.memory_space<semaphore_mem>>)
      } else {
      }
      %scan3A_99 = arith.constant 0 : i32
      scf.yield %scan3A_99 : i32
    }
    %scan3A_38 = arith.constant 20 : i32
    "tpu.region"() ({
      %run_scoped3A = tpu.sem_alloc : memref<!tpu.dma_semaphore, #tpu.memory_space<semaphore_mem>>
      %dma_start3A_61 = arith.constant 40 : i32
      %dma_start3A_62 = arith.constant 0 : i32
      %dma_start3A_63 = tpu.memref_slice %arg3[%add3A, %dma_start3A_61, %dma_start3A_62] : memref<32x80x128xi32, #tpu.memory_space<hbm>> -> memref<1x40x128xi32, #tpu.memory_space<hbm>>
      %dma_start3A_64 = tpu.memref_squeeze %dma_start3A_63 : memref<1x40x128xi32, #tpu.memory_space<hbm>> -> memref<40x128xi32, #tpu.memory_space<hbm>>
      %dma_start3A_65 = arith.constant 40 : i32
      %dma_start3A_66 = arith.constant 0 : i32
      %dma_start3A_67 = tpu.memref_slice %arg3[%add3A, %dma_start3A_65, %dma_start3A_66] : memref<32x80x128xi32, #tpu.memory_space<hbm>> -> memref<1x40x128xi32, #tpu.memory_space<hbm>>
      %dma_start3A_68 = tpu.memref_squeeze %dma_start3A_67 : memref<1x40x128xi32, #tpu.memory_space<hbm>> -> memref<40x128xi32, #tpu.memory_space<hbm>>
      tpu.enqueue_dma source(%dma_start3A_68 : memref<40x128xi32, #tpu.memory_space<hbm>>) target(%arg6 : memref<40x128xi32, #tpu.memory_space<vmem>>) target_semaphore(%run_scoped3A : memref<!tpu.dma_semaphore, #tpu.memory_space<semaphore_mem>>)
      %dma_wait3A = arith.constant 40 : i32
      %dma_wait3A_69 = arith.constant 0 : i32
      %dma_wait3A_70 = tpu.memref_slice %arg3[%add3A, %dma_wait3A, %dma_wait3A_69] : memref<32x80x128xi32, #tpu.memory_space<hbm>> -> memref<1x40x128xi32, #tpu.memory_space<hbm>>
      %dma_wait3A_71 = tpu.memref_squeeze %dma_wait3A_70 : memref<1x40x128xi32, #tpu.memory_space<hbm>> -> memref<40x128xi32, #tpu.memory_space<hbm>>
      %dma_wait3A_72 = arith.constant 40 : i32
      %dma_wait3A_73 = arith.constant 0 : i32
      %dma_wait3A_74 = tpu.memref_slice %arg3[%add3A, %dma_wait3A_72, %dma_wait3A_73] : memref<32x80x128xi32, #tpu.memory_space<hbm>> -> memref<1x40x128xi32, #tpu.memory_space<hbm>>
      %dma_wait3A_75 = tpu.memref_squeeze %dma_wait3A_74 : memref<1x40x128xi32, #tpu.memory_space<hbm>> -> memref<40x128xi32, #tpu.memory_space<hbm>>
      tpu.wait_dma2 semaphore(%run_scoped3A : memref<!tpu.dma_semaphore, #tpu.memory_space<semaphore_mem>>) src(%dma_wait3A_75 : memref<40x128xi32, #tpu.memory_space<hbm>>) dst(%arg6 : memref<40x128xi32, #tpu.memory_space<vmem>>)
      tpu.yield
    }) : () -> ()
    "tpu.region"() ({
      %run_scoped3A = tpu.sem_alloc : memref<!tpu.dma_semaphore, #tpu.memory_space<semaphore_mem>>
      %dma_start3A_61 = arith.constant 40 : i32
      %dma_start3A_62 = arith.constant 0 : i32
      %dma_start3A_63 = tpu.memref_slice %arg4[%add3A, %dma_start3A_61, %dma_start3A_62] : memref<32x80x128xi32, #tpu.memory_space<hbm>> -> memref<1x40x128xi32, #tpu.memory_space<hbm>>
      %dma_start3A_64 = tpu.memref_squeeze %dma_start3A_63 : memref<1x40x128xi32, #tpu.memory_space<hbm>> -> memref<40x128xi32, #tpu.memory_space<hbm>>
      %dma_start3A_65 = arith.constant 40 : i32
      %dma_start3A_66 = arith.constant 0 : i32
      %dma_start3A_67 = tpu.memref_slice %arg4[%add3A, %dma_start3A_65, %dma_start3A_66] : memref<32x80x128xi32, #tpu.memory_space<hbm>> -> memref<1x40x128xi32, #tpu.memory_space<hbm>>
      %dma_start3A_68 = tpu.memref_squeeze %dma_start3A_67 : memref<1x40x128xi32, #tpu.memory_space<hbm>> -> memref<40x128xi32, #tpu.memory_space<hbm>>
      tpu.enqueue_dma source(%dma_start3A_68 : memref<40x128xi32, #tpu.memory_space<hbm>>) target(%arg7 : memref<40x128xi32, #tpu.memory_space<vmem>>) target_semaphore(%run_scoped3A : memref<!tpu.dma_semaphore, #tpu.memory_space<semaphore_mem>>)
      %dma_wait3A = arith.constant 40 : i32
      %dma_wait3A_69 = arith.constant 0 : i32
      %dma_wait3A_70 = tpu.memref_slice %arg4[%add3A, %dma_wait3A, %dma_wait3A_69] : memref<32x80x128xi32, #tpu.memory_space<hbm>> -> memref<1x40x128xi32, #tpu.memory_space<hbm>>
      %dma_wait3A_71 = tpu.memref_squeeze %dma_wait3A_70 : memref<1x40x128xi32, #tpu.memory_space<hbm>> -> memref<40x128xi32, #tpu.memory_space<hbm>>
      %dma_wait3A_72 = arith.constant 40 : i32
      %dma_wait3A_73 = arith.constant 0 : i32
      %dma_wait3A_74 = tpu.memref_slice %arg4[%add3A, %dma_wait3A_72, %dma_wait3A_73] : memref<32x80x128xi32, #tpu.memory_space<hbm>> -> memref<1x40x128xi32, #tpu.memory_space<hbm>>
      %dma_wait3A_75 = tpu.memref_squeeze %dma_wait3A_74 : memref<1x40x128xi32, #tpu.memory_space<hbm>> -> memref<40x128xi32, #tpu.memory_space<hbm>>
      tpu.wait_dma2 semaphore(%run_scoped3A : memref<!tpu.dma_semaphore, #tpu.memory_space<semaphore_mem>>) src(%dma_wait3A_75 : memref<40x128xi32, #tpu.memory_space<hbm>>) dst(%arg7 : memref<40x128xi32, #tpu.memory_space<vmem>>)
      tpu.yield
    }) : () -> ()
    %dma_start3A_39 = arith.constant 0 : i32
    %dma_start3A_40 = arith.constant 0 : i32
    %dma_start3A_41 = tpu.memref_slice %arg6[%dma_start3A_39, %dma_start3A_40] : memref<40x128xi32, #tpu.memory_space<vmem>> -> memref<1x128xi32, #tpu.memory_space<vmem>>
    %dma_start3A_42 = tpu.memref_squeeze %dma_start3A_41 : memref<1x128xi32, #tpu.memory_space<vmem>> -> memref<128xi32, #tpu.memory_space<vmem>>
    %dma_start3A_43 = arith.constant 0 : i32
    %dma_start3A_44 = arith.constant 0 : i32
    %dma_start3A_45 = tpu.memref_slice %arg2[%dma_start3A_43, %dma_start3A_44] : memref<10000x128xf32, #tpu.memory_space<hbm>> -> memref<10000x128xf32, #tpu.memory_space<hbm>>
    tpu.enqueue_indirect_dma source(%dma_start3A_45 : memref<10000x128xf32, #tpu.memory_space<hbm>>) target(%arg8 : memref<128x128xf32, #tpu.memory_space<vmem>>) offsets(%dma_start3A_42 : memref<128xi32, #tpu.memory_space<vmem>>) semaphore(%arg11 : memref<!tpu.dma_semaphore, #tpu.memory_space<semaphore_mem>>)
    %dma_start3A_46 = arith.constant 1 : i32
    %dma_start3A_47 = arith.constant 0 : i32
    %dma_start3A_48 = tpu.memref_slice %arg6[%dma_start3A_46, %dma_start3A_47] : memref<40x128xi32, #tpu.memory_space<vmem>> -> memref<1x128xi32, #tpu.memory_space<vmem>>
    %dma_start3A_49 = tpu.memref_squeeze %dma_start3A_48 : memref<1x128xi32, #tpu.memory_space<vmem>> -> memref<128xi32, #tpu.memory_space<vmem>>
    %dma_start3A_50 = arith.constant 0 : i32
    %dma_start3A_51 = arith.constant 0 : i32
    %dma_start3A_52 = tpu.memref_slice %arg2[%dma_start3A_50, %dma_start3A_51] : memref<10000x128xf32, #tpu.memory_space<hbm>> -> memref<10000x128xf32, #tpu.memory_space<hbm>>
    tpu.enqueue_indirect_dma source(%dma_start3A_52 : memref<10000x128xf32, #tpu.memory_space<hbm>>) target(%arg9 : memref<128x128xf32, #tpu.memory_space<vmem>>) offsets(%dma_start3A_49 : memref<128xi32, #tpu.memory_space<vmem>>) semaphore(%arg12 : memref<!tpu.dma_semaphore, #tpu.memory_space<semaphore_mem>>)
    %scan3A_53 = arith.constant 0 : i32
    %scan3A_54 = arith.constant 0 : i32
    %scan3A_55 = arith.constant 20 : i32
    %scan3A_56 = arith.addi %scan3A_54, %scan3A_55 : i32
    %scan3A_57 = arith.constant 1 : i32
    %scan3A_58 = scf.for %scan3A_61 = %scan3A_54 to %scan3A_56 step %scan3A_57 iter_args(%scan3A_62 = %scan3A_53) -> (i32)  : i32 {
      %mul3A_63 = arith.constant 2 : i32
      %mul3A_64 = arith.muli %scan3A_61, %mul3A_63 : i32
      %add3A_65 = arith.constant 0 : i32
      %add3A_66 = arith.addi %mul3A_64, %add3A_65 : i32
      %dma_wait3A = arith.constant 0 : i32
      %dma_wait3A_67 = tpu.memref_slice %arg6[%add3A_66, %dma_wait3A] : memref<40x128xi32, #tpu.memory_space<vmem>> -> memref<1x128xi32, #tpu.memory_space<vmem>>
      %dma_wait3A_68 = tpu.memref_squeeze %dma_wait3A_67 : memref<1x128xi32, #tpu.memory_space<vmem>> -> memref<128xi32, #tpu.memory_space<vmem>>
      %dma_wait3A_69 = arith.constant 0 : i32
      %dma_wait3A_70 = arith.constant 0 : i32
      %dma_wait3A_71 = tpu.memref_slice %arg2[%dma_wait3A_69, %dma_wait3A_70] : memref<10000x128xf32, #tpu.memory_space<hbm>> -> memref<10000x128xf32, #tpu.memory_space<hbm>>
      tpu.wait_indirect_dma semaphore(%arg11 : memref<!tpu.dma_semaphore, #tpu.memory_space<semaphore_mem>>) src(%dma_wait3A_71 : memref<10000x128xf32, #tpu.memory_space<hbm>>) dst(%arg8 : memref<128x128xf32, #tpu.memory_space<vmem>>)
      %add3A_72 = arith.constant 0 : i32
      %add3A_73 = arith.addi %mul3A_64, %add3A_72 : i32
      "tpu.region"() ({
        %run_scoped3A = tpu.sem_alloc : memref<!tpu.dma_semaphore, #tpu.memory_space<semaphore_mem>>
        %dma_start3A_100 = arith.constant 0 : i32
        %dma_start3A_101 = tpu.memref_slice %arg7[%add3A_73, %dma_start3A_100] : memref<40x128xi32, #tpu.memory_space<vmem>> -> memref<1x128xi32, #tpu.memory_space<vmem>>
        %dma_start3A_102 = tpu.memref_squeeze %dma_start3A_101 : memref<1x128xi32, #tpu.memory_space<vmem>> -> memref<128xi32, #tpu.memory_space<vmem>>
        %dma_start3A_103 = arith.constant 0 : i32
        %dma_start3A_104 = arith.constant 0 : i32
        %dma_start3A_105 = tpu.memref_slice %arg10[%dma_start3A_103, %dma_start3A_104] : memref<10240x128xf32, #tpu.memory_space<vmem_shared>> -> memref<10240x128xf32, #tpu.memory_space<vmem_shared>>
        tpu.enqueue_indirect_dma source(%arg8 : memref<128x128xf32, #tpu.memory_space<vmem>>) target(%dma_start3A_105 : memref<10240x128xf32, #tpu.memory_space<vmem_shared>>) offsets(%dma_start3A_102 : memref<128xi32, #tpu.memory_space<vmem>>) semaphore(%run_scoped3A : memref<!tpu.dma_semaphore, #tpu.memory_space<semaphore_mem>>) {add = true}
        %dma_wait3A_106 = arith.constant 0 : i32
        %dma_wait3A_107 = tpu.memref_slice %arg7[%add3A_73, %dma_wait3A_106] : memref<40x128xi32, #tpu.memory_space<vmem>> -> memref<1x128xi32, #tpu.memory_space<vmem>>
        %dma_wait3A_108 = tpu.memref_squeeze %dma_wait3A_107 : memref<1x128xi32, #tpu.memory_space<vmem>> -> memref<128xi32, #tpu.memory_space<vmem>>
        %dma_wait3A_109 = arith.constant 0 : i32
        %dma_wait3A_110 = arith.constant 0 : i32
        %dma_wait3A_111 = tpu.memref_slice %arg10[%dma_wait3A_109, %dma_wait3A_110] : memref<10240x128xf32, #tpu.memory_space<vmem_shared>> -> memref<10240x128xf32, #tpu.memory_space<vmem_shared>>
        tpu.wait_indirect_dma semaphore(%run_scoped3A : memref<!tpu.dma_semaphore, #tpu.memory_space<semaphore_mem>>) src(%arg8 : memref<128x128xf32, #tpu.memory_space<vmem>>) dst(%dma_wait3A_111 : memref<10240x128xf32, #tpu.memory_space<vmem_shared>>)
        tpu.yield
      }) : () -> ()
      %add3A_74 = arith.constant 0 : i32
      %add3A_75 = arith.addi %mul3A_64, %add3A_74 : i32
      %add3A_76 = arith.constant 2 : i32
      %add3A_77 = arith.addi %add3A_75, %add3A_76 : i32
      %lt3A = arith.constant 40 : i32
      %lt3A_78 = arith.cmpi slt, %add3A_77, %lt3A : i32
      %convert_element_type3A = arith.extui %lt3A_78 : i1 to i32
      %cond3A = arith.constant 0 : i32
      %cond3A_79 = arith.cmpi ne, %convert_element_type3A, %cond3A : i32
      scf.if %cond3A_79 {
        %add3A_100 = arith.constant 0 : i32
        %add3A_101 = arith.addi %mul3A_64, %add3A_100 : i32
        %add3A_102 = arith.constant 2 : i32
        %add3A_103 = arith.addi %add3A_101, %add3A_102 : i32
        %dma_start3A_104 = arith.constant 0 : i32
        %dma_start3A_105 = tpu.memref_slice %arg6[%add3A_103, %dma_start3A_104] : memref<40x128xi32, #tpu.memory_space<vmem>> -> memref<1x128xi32, #tpu.memory_space<vmem>>
        %dma_start3A_106 = tpu.memref_squeeze %dma_start3A_105 : memref<1x128xi32, #tpu.memory_space<vmem>> -> memref<128xi32, #tpu.memory_space<vmem>>
        %dma_start3A_107 = arith.constant 0 : i32
        %dma_start3A_108 = arith.constant 0 : i32
        %dma_start3A_109 = tpu.memref_slice %arg2[%dma_start3A_107, %dma_start3A_108] : memref<10000x128xf32, #tpu.memory_space<hbm>> -> memref<10000x128xf32, #tpu.memory_space<hbm>>
        tpu.enqueue_indirect_dma source(%dma_start3A_109 : memref<10000x128xf32, #tpu.memory_space<hbm>>) target(%arg8 : memref<128x128xf32, #tpu.memory_space<vmem>>) offsets(%dma_start3A_106 : memref<128xi32, #tpu.memory_space<vmem>>) semaphore(%arg11 : memref<!tpu.dma_semaphore, #tpu.memory_space<semaphore_mem>>)
      } else {
      }
      %add3A_80 = arith.constant 1 : i32
      %add3A_81 = arith.addi %mul3A_64, %add3A_80 : i32
      %dma_wait3A_82 = arith.constant 0 : i32
      %dma_wait3A_83 = tpu.memref_slice %arg6[%add3A_81, %dma_wait3A_82] : memref<40x128xi32, #tpu.memory_space<vmem>> -> memref<1x128xi32, #tpu.memory_space<vmem>>
      %dma_wait3A_84 = tpu.memref_squeeze %dma_wait3A_83 : memref<1x128xi32, #tpu.memory_space<vmem>> -> memref<128xi32, #tpu.memory_space<vmem>>
      %dma_wait3A_85 = arith.constant 0 : i32
      %dma_wait3A_86 = arith.constant 0 : i32
      %dma_wait3A_87 = tpu.memref_slice %arg2[%dma_wait3A_85, %dma_wait3A_86] : memref<10000x128xf32, #tpu.memory_space<hbm>> -> memref<10000x128xf32, #tpu.memory_space<hbm>>
      tpu.wait_indirect_dma semaphore(%arg12 : memref<!tpu.dma_semaphore, #tpu.memory_space<semaphore_mem>>) src(%dma_wait3A_87 : memref<10000x128xf32, #tpu.memory_space<hbm>>) dst(%arg9 : memref<128x128xf32, #tpu.memory_space<vmem>>)
      %add3A_88 = arith.constant 1 : i32
      %add3A_89 = arith.addi %mul3A_64, %add3A_88 : i32
      "tpu.region"() ({
        %run_scoped3A = tpu.sem_alloc : memref<!tpu.dma_semaphore, #tpu.memory_space<semaphore_mem>>
        %dma_start3A_100 = arith.constant 0 : i32
        %dma_start3A_101 = tpu.memref_slice %arg7[%add3A_89, %dma_start3A_100] : memref<40x128xi32, #tpu.memory_space<vmem>> -> memref<1x128xi32, #tpu.memory_space<vmem>>
        %dma_start3A_102 = tpu.memref_squeeze %dma_start3A_101 : memref<1x128xi32, #tpu.memory_space<vmem>> -> memref<128xi32, #tpu.memory_space<vmem>>
        %dma_start3A_103 = arith.constant 0 : i32
        %dma_start3A_104 = arith.constant 0 : i32
        %dma_start3A_105 = tpu.memref_slice %arg10[%dma_start3A_103, %dma_start3A_104] : memref<10240x128xf32, #tpu.memory_space<vmem_shared>> -> memref<10240x128xf32, #tpu.memory_space<vmem_shared>>
        tpu.enqueue_indirect_dma source(%arg9 : memref<128x128xf32, #tpu.memory_space<vmem>>) target(%dma_start3A_105 : memref<10240x128xf32, #tpu.memory_space<vmem_shared>>) offsets(%dma_start3A_102 : memref<128xi32, #tpu.memory_space<vmem>>) semaphore(%run_scoped3A : memref<!tpu.dma_semaphore, #tpu.memory_space<semaphore_mem>>) {add = true}
        %dma_wait3A_106 = arith.constant 0 : i32
        %dma_wait3A_107 = tpu.memref_slice %arg7[%add3A_89, %dma_wait3A_106] : memref<40x128xi32, #tpu.memory_space<vmem>> -> memref<1x128xi32, #tpu.memory_space<vmem>>
        %dma_wait3A_108 = tpu.memref_squeeze %dma_wait3A_107 : memref<1x128xi32, #tpu.memory_space<vmem>> -> memref<128xi32, #tpu.memory_space<vmem>>
        %dma_wait3A_109 = arith.constant 0 : i32
        %dma_wait3A_110 = arith.constant 0 : i32
        %dma_wait3A_111 = tpu.memref_slice %arg10[%dma_wait3A_109, %dma_wait3A_110] : memref<10240x128xf32, #tpu.memory_space<vmem_shared>> -> memref<10240x128xf32, #tpu.memory_space<vmem_shared>>
        tpu.wait_indirect_dma semaphore(%run_scoped3A : memref<!tpu.dma_semaphore, #tpu.memory_space<semaphore_mem>>) src(%arg9 : memref<128x128xf32, #tpu.memory_space<vmem>>) dst(%dma_wait3A_111 : memref<10240x128xf32, #tpu.memory_space<vmem_shared>>)
        tpu.yield
      }) : () -> ()
      %add3A_90 = arith.constant 1 : i32
      %add3A_91 = arith.addi %mul3A_64, %add3A_90 : i32
      %add3A_92 = arith.constant 2 : i32
      %add3A_93 = arith.addi %add3A_91, %add3A_92 : i32
      %lt3A_94 = arith.constant 40 : i32
      %lt3A_95 = arith.cmpi slt, %add3A_93, %lt3A_94 : i32
      %convert_element_type3A_96 = arith.extui %lt3A_95 : i1 to i32
      %cond3A_97 = arith.constant 0 : i32
      %cond3A_98 = arith.cmpi ne, %convert_element_type3A_96, %cond3A_97 : i32
      scf.if %cond3A_98 {
        %add3A_100 = arith.constant 1 : i32
        %add3A_101 = arith.addi %mul3A_64, %add3A_100 : i32
        %add3A_102 = arith.constant 2 : i32
        %add3A_103 = arith.addi %add3A_101, %add3A_102 : i32
        %dma_start3A_104 = arith.constant 0 : i32
        %dma_start3A_105 = tpu.memref_slice %arg6[%add3A_103, %dma_start3A_104] : memref<40x128xi32, #tpu.memory_space<vmem>> -> memref<1x128xi32, #tpu.memory_space<vmem>>
        %dma_start3A_106 = tpu.memref_squeeze %dma_start3A_105 : memref<1x128xi32, #tpu.memory_space<vmem>> -> memref<128xi32, #tpu.memory_space<vmem>>
        %dma_start3A_107 = arith.constant 0 : i32
        %dma_start3A_108 = arith.constant 0 : i32
        %dma_start3A_109 = tpu.memref_slice %arg2[%dma_start3A_107, %dma_start3A_108] : memref<10000x128xf32, #tpu.memory_space<hbm>> -> memref<10000x128xf32, #tpu.memory_space<hbm>>
        tpu.enqueue_indirect_dma source(%dma_start3A_109 : memref<10000x128xf32, #tpu.memory_space<hbm>>) target(%arg9 : memref<128x128xf32, #tpu.memory_space<vmem>>) offsets(%dma_start3A_106 : memref<128xi32, #tpu.memory_space<vmem>>) semaphore(%arg12 : memref<!tpu.dma_semaphore, #tpu.memory_space<semaphore_mem>>)
      } else {
      }
      %scan3A_99 = arith.constant 0 : i32
      scf.yield %scan3A_99 : i32
    }
    %scan3A_59 = arith.constant 20 : i32
    %barrier3A_60 = arith.constant 0 : index
    tpu.barrier barrier_id(%barrier3A_60)
    "tpu.region"() ({
      %run_scoped3A = tpu.sem_alloc : memref<!tpu.dma_semaphore, #tpu.memory_space<semaphore_mem>>
      %dma_start3A_61 = arith.constant 0 : i32
      %dma_start3A_62 = tpu.memref_slice %arg5[%arg0, %mul3A_2, %dma_start3A_61] : memref<2x10240x128xf32, #tpu.memory_space<hbm>> -> memref<1x640x128xf32, #tpu.memory_space<hbm>>
      %dma_start3A_63 = tpu.memref_squeeze %dma_start3A_62 : memref<1x640x128xf32, #tpu.memory_space<hbm>> -> memref<640x128xf32, #tpu.memory_space<hbm>>
      %dma_start3A_64 = arith.constant 0 : i32
      %dma_start3A_65 = tpu.memref_slice %arg10[%mul3A_2, %dma_start3A_64] : memref<10240x128xf32, #tpu.memory_space<vmem_shared>> -> memref<640x128xf32, #tpu.memory_space<vmem_shared>>
      tpu.enqueue_dma source(%dma_start3A_65 : memref<640x128xf32, #tpu.memory_space<vmem_shared>>) target(%dma_start3A_63 : memref<640x128xf32, #tpu.memory_space<hbm>>) target_semaphore(%run_scoped3A : memref<!tpu.dma_semaphore, #tpu.memory_space<semaphore_mem>>)
      %dma_wait3A = arith.constant 0 : i32
      %dma_wait3A_66 = tpu.memref_slice %arg5[%arg0, %mul3A_2, %dma_wait3A] : memref<2x10240x128xf32, #tpu.memory_space<hbm>> -> memref<1x640x128xf32, #tpu.memory_space<hbm>>
      %dma_wait3A_67 = tpu.memref_squeeze %dma_wait3A_66 : memref<1x640x128xf32, #tpu.memory_space<hbm>> -> memref<640x128xf32, #tpu.memory_space<hbm>>
      %dma_wait3A_68 = arith.constant 0 : i32
      %dma_wait3A_69 = tpu.memref_slice %arg10[%mul3A_2, %dma_wait3A_68] : memref<10240x128xf32, #tpu.memory_space<vmem_shared>> -> memref<640x128xf32, #tpu.memory_space<vmem_shared>>
      tpu.wait_dma2 semaphore(%run_scoped3A : memref<!tpu.dma_semaphore, #tpu.memory_space<semaphore_mem>>) src(%dma_wait3A_69 : memref<640x128xf32, #tpu.memory_space<vmem_shared>>) dst(%dma_wait3A_67 : memref<640x128xf32, #tpu.memory_space<hbm>>)
      tpu.yield
    }) : () -> ()
    return
  }
}

module attributes {stable_mosaic.version = 14 : i64} {
  func.func @_tc_dense_body(%arg0: i32, %arg1: memref<2x2048x128xf32, #tpu.memory_space<vmem>>, %arg2: memref<2x10240xf32, #tpu.memory_space<vmem>>, %arg3: memref<2048x128xf32, #tpu.memory_space<vmem>>, %arg4: memref<128x128xf32, #tpu.memory_space<vmem>>, %arg5: memref<1x128xf32, #tpu.memory_space<vmem>>, %arg6: memref<128x128xf32, #tpu.memory_space<vmem>>, %arg7: memref<2048x128xf32, #tpu.memory_space<vmem>>) attributes {dimension_semantics = [#tpu.dimension_semantics<arbitrary>], iteration_bounds = array<i64: 5>, scalar_prefetch = 0 : i64, scratch_operands = 0 : i64, tpu.core_type = #tpu.core_type<tc>, window_params = [{transform_indices = @transform_0, window_bounds = array<i64: 2, 2048, 128>}, {pipeline_mode = #tpu.pipeline_mode<synchronous>, transform_indices = @transform_1, window_bounds = array<i64: 2, 10240>}, {transform_indices = @transform_2, window_bounds = array<i64: 2048, 128>}, {pipeline_mode = #tpu.pipeline_mode<synchronous>, transform_indices = @transform_3, window_bounds = array<i64: 128, 128>}, {pipeline_mode = #tpu.pipeline_mode<synchronous>, transform_indices = @transform_4, window_bounds = array<i64: 1, 128>}, {pipeline_mode = #tpu.pipeline_mode<synchronous>, transform_indices = @transform_5, window_bounds = array<i64: 128, 128>}, {transform_indices = @transform_6, window_bounds = array<i64: 2048, 128>}]} {
    %mul3A = arith.constant 2048 : i32
    %mul3A_0 = arith.muli %arg0, %mul3A : i32
    %get3A = arith.constant 0 : index
    %get3A_1 = arith.index_cast %mul3A_0 : i32 to index
    %get3A_2 = vector.load %arg2[%get3A, %get3A_1] : memref<2x10240xf32, #tpu.memory_space<vmem>>, vector<2x2048xf32>
    %slice3A = vector.extract_strided_slice %get3A_2 {offsets = [0, 0], sizes = [1, 2048], strides = [1, 1]} : vector<2x2048xf32> to vector<1x2048xf32>
    %squeeze3A = vector.shape_cast %slice3A : vector<1x2048xf32> to vector<2048xf32>
    %slice3A_3 = vector.extract_strided_slice %get3A_2 {offsets = [1, 0], sizes = [1, 2048], strides = [1, 1]} : vector<2x2048xf32> to vector<1x2048xf32>
    %squeeze3A_4 = vector.shape_cast %slice3A_3 : vector<1x2048xf32> to vector<2048xf32>
    %add3A = arith.addf %squeeze3A, %squeeze3A_4 : vector<2048xf32>
    %max3A = arith.constant 1.000000e+00 : f32
    %max3A_5 = vector.broadcast %max3A : f32 to vector<2048xf32>
    %max3A_6 = arith.maximumf %add3A, %max3A_5 : vector<2048xf32>
    %div3A = arith.constant 1.000000e+00 : f32
    %div3A_7 = vector.broadcast %div3A : f32 to vector<2048xf32>
    %div3A_8 = arith.divf %div3A_7, %max3A_6 : vector<2048xf32>
    %get3A_9 = arith.constant 0 : index
    %get3A_10 = arith.constant 0 : index
    %get3A_11 = arith.constant 0 : index
    %get3A_12 = vector.load %arg1[%get3A_9, %get3A_10, %get3A_11] : memref<2x2048x128xf32, #tpu.memory_space<vmem>>, vector<1x2048x128xf32>
    %get3A_13 = vector.shape_cast %get3A_12 : vector<1x2048x128xf32> to vector<2048x128xf32>
    %get3A_14 = arith.constant 1 : index
    %get3A_15 = arith.constant 0 : index
    %get3A_16 = arith.constant 0 : index
    %get3A_17 = vector.load %arg1[%get3A_14, %get3A_15, %get3A_16] : memref<2x2048x128xf32, #tpu.memory_space<vmem>>, vector<1x2048x128xf32>
    %get3A_18 = vector.shape_cast %get3A_17 : vector<1x2048x128xf32> to vector<2048x128xf32>
    %add3A_19 = arith.addf %get3A_13, %get3A_18 : vector<2048x128xf32>
    %broadcast_in_dim3A = vector.shape_cast %div3A_8 : vector<2048xf32> to vector<2048x1xf32>
    %mul3A_20 = vector.broadcast %broadcast_in_dim3A : vector<2048x1xf32> to vector<2048x128xf32>
    %mul3A_21 = arith.mulf %add3A_19, %mul3A_20 : vector<2048x128xf32>
    %get3A_22 = arith.constant 0 : index
    %get3A_23 = arith.constant 0 : index
    %get3A_24 = vector.load %arg4[%get3A_22, %get3A_23] : memref<128x128xf32, #tpu.memory_space<vmem>>, vector<128x128xf32>
    %dot_general3A = arith.constant dense<0.000000e+00> : vector<2048x128xf32>
    %dot_general3A_25 = tpu.matmul %mul3A_21, %get3A_24, %dot_general3A {dimension_numbers = #tpu.dot_dimension_numbers<[1], [0], [0], [1], [0, 0, 1, 1], [], []>, transpose_lhs_hint = false} : vector<2048x128xf32>, vector<128x128xf32>, vector<2048x128xf32> -> vector<2048x128xf32>
    %get3A_26 = arith.constant 0 : index
    %get3A_27 = arith.constant 0 : index
    %get3A_28 = vector.load %arg3[%get3A_26, %get3A_27] : memref<2048x128xf32, #tpu.memory_space<vmem>>, vector<2048x128xf32>
    %get3A_29 = arith.constant 0 : index
    %get3A_30 = arith.constant 0 : index
    %get3A_31 = vector.load %arg6[%get3A_29, %get3A_30] : memref<128x128xf32, #tpu.memory_space<vmem>>, vector<128x128xf32>
    %dot_general3A_32 = arith.constant dense<0.000000e+00> : vector<2048x128xf32>
    %dot_general3A_33 = tpu.matmul %get3A_28, %get3A_31, %dot_general3A_32 {dimension_numbers = #tpu.dot_dimension_numbers<[1], [0], [0], [1], [0, 0, 1, 1], [], []>, transpose_lhs_hint = false} : vector<2048x128xf32>, vector<128x128xf32>, vector<2048x128xf32> -> vector<2048x128xf32>
    %add3A_34 = arith.addf %dot_general3A_25, %dot_general3A_33 : vector<2048x128xf32>
    %get3A_35 = arith.constant 0 : index
    %get3A_36 = arith.constant 0 : index
    %get3A_37 = vector.load %arg5[%get3A_35, %get3A_36] : memref<1x128xf32, #tpu.memory_space<vmem>>, vector<1x128xf32>
    %add3A_38 = vector.broadcast %get3A_37 : vector<1x128xf32> to vector<2048x128xf32>
    %add3A_39 = arith.addf %add3A_34, %add3A_38 : vector<2048x128xf32>
    %max3A_40 = arith.constant 0.000000e+00 : f32
    %max3A_41 = vector.broadcast %max3A_40 : f32 to vector<2048x128xf32>
    %max3A_42 = arith.maximumf %add3A_39, %max3A_41 : vector<2048x128xf32>
    %swap3A = arith.constant 0 : index
    %swap3A_43 = arith.constant 0 : index
    %swap3A_44 = vector.load %arg7[%swap3A, %swap3A_43] : memref<2048x128xf32, #tpu.memory_space<vmem>>, vector<2048x128xf32>
    tpu.vector_store %arg7[%swap3A, %swap3A_43], %max3A_42 {strides = array<i32>} : memref<2048x128xf32, #tpu.memory_space<vmem>>, vector<2048x128xf32>,
    return
  }
  func.func @transform_0(%arg0: i32) -> (i32, i32, i32) {
    %c0_i32 = arith.constant 0 : i32
    %c0_i32_0 = arith.constant 0 : i32
    %c0_i32_1 = arith.constant 0 : i32
    return %c0_i32, %arg0, %c0_i32_0 : i32, i32, i32
  }
  func.func @transform_1(%arg0: i32) -> (i32, i32) {
    %c0_i32 = arith.constant 0 : i32
    %c0_i32_0 = arith.constant 0 : i32
    %c0_i32_1 = arith.constant 0 : i32
    return %c0_i32, %c0_i32_0 : i32, i32
  }
  func.func @transform_2(%arg0: i32) -> (i32, i32) {
    %c0_i32 = arith.constant 0 : i32
    %c0_i32_0 = arith.constant 0 : i32
    return %arg0, %c0_i32 : i32, i32
  }
  func.func @transform_3(%arg0: i32) -> (i32, i32) {
    %c0_i32 = arith.constant 0 : i32
    %c0_i32_0 = arith.constant 0 : i32
    %c0_i32_1 = arith.constant 0 : i32
    return %c0_i32, %c0_i32_0 : i32, i32
  }
  func.func @transform_4(%arg0: i32) -> (i32, i32) {
    %c0_i32 = arith.constant 0 : i32
    %c0_i32_0 = arith.constant 0 : i32
    %c0_i32_1 = arith.constant 0 : i32
    return %c0_i32, %c0_i32_0 : i32, i32
  }
  func.func @transform_5(%arg0: i32) -> (i32, i32) {
    %c0_i32 = arith.constant 0 : i32
    %c0_i32_0 = arith.constant 0 : i32
    %c0_i32_1 = arith.constant 0 : i32
    return %c0_i32, %c0_i32_0 : i32, i32
  }
  func.func @transform_6(%arg0: i32) -> (i32, i32) {
    %c0_i32 = arith.constant 0 : i32
    %c0_i32_0 = arith.constant 0 : i32
    return %arg0, %c0_i32 : i32, i32
  }
}

module attributes {stable_mosaic.version = 14 : i64} {
  func.func @_tc_dense_body(%arg0: i32, %arg1: memref<2x2048x128xf32, #tpu.memory_space<vmem>>, %arg2: memref<2x10240xf32, #tpu.memory_space<vmem>>, %arg3: memref<2048x128xf32, #tpu.memory_space<vmem>>, %arg4: memref<128x128xf32, #tpu.memory_space<vmem>>, %arg5: memref<1x128xf32, #tpu.memory_space<vmem>>, %arg6: memref<128x128xf32, #tpu.memory_space<vmem>>, %arg7: memref<2048x128xf32, #tpu.memory_space<vmem>>) attributes {dimension_semantics = [#tpu.dimension_semantics<arbitrary>], iteration_bounds = array<i64: 5>, scalar_prefetch = 0 : i64, scratch_operands = 0 : i64, tpu.core_type = #tpu.core_type<tc>, window_params = [{transform_indices = @transform_0, window_bounds = array<i64: 2, 2048, 128>}, {pipeline_mode = #tpu.pipeline_mode<synchronous>, transform_indices = @transform_1, window_bounds = array<i64: 2, 10240>}, {transform_indices = @transform_2, window_bounds = array<i64: 2048, 128>}, {pipeline_mode = #tpu.pipeline_mode<synchronous>, transform_indices = @transform_3, window_bounds = array<i64: 128, 128>}, {pipeline_mode = #tpu.pipeline_mode<synchronous>, transform_indices = @transform_4, window_bounds = array<i64: 1, 128>}, {pipeline_mode = #tpu.pipeline_mode<synchronous>, transform_indices = @transform_5, window_bounds = array<i64: 128, 128>}, {transform_indices = @transform_6, window_bounds = array<i64: 2048, 128>}]} {
    %mul3A = arith.constant 2048 : i32
    %mul3A_0 = arith.muli %arg0, %mul3A : i32
    %get3A = arith.constant 0 : index
    %get3A_1 = arith.index_cast %mul3A_0 : i32 to index
    %get3A_2 = vector.load %arg2[%get3A, %get3A_1] : memref<2x10240xf32, #tpu.memory_space<vmem>>, vector<2x2048xf32>
    %slice3A = vector.extract_strided_slice %get3A_2 {offsets = [0, 0], sizes = [1, 2048], strides = [1, 1]} : vector<2x2048xf32> to vector<1x2048xf32>
    %squeeze3A = vector.shape_cast %slice3A : vector<1x2048xf32> to vector<2048xf32>
    %slice3A_3 = vector.extract_strided_slice %get3A_2 {offsets = [1, 0], sizes = [1, 2048], strides = [1, 1]} : vector<2x2048xf32> to vector<1x2048xf32>
    %squeeze3A_4 = vector.shape_cast %slice3A_3 : vector<1x2048xf32> to vector<2048xf32>
    %add3A = arith.addf %squeeze3A, %squeeze3A_4 : vector<2048xf32>
    %max3A = arith.constant 1.000000e+00 : f32
    %max3A_5 = vector.broadcast %max3A : f32 to vector<2048xf32>
    %max3A_6 = arith.maximumf %add3A, %max3A_5 : vector<2048xf32>
    %div3A = arith.constant 1.000000e+00 : f32
    %div3A_7 = vector.broadcast %div3A : f32 to vector<2048xf32>
    %div3A_8 = arith.divf %div3A_7, %max3A_6 : vector<2048xf32>
    %get3A_9 = arith.constant 0 : index
    %get3A_10 = arith.constant 0 : index
    %get3A_11 = arith.constant 0 : index
    %get3A_12 = vector.load %arg1[%get3A_9, %get3A_10, %get3A_11] : memref<2x2048x128xf32, #tpu.memory_space<vmem>>, vector<1x2048x128xf32>
    %get3A_13 = vector.shape_cast %get3A_12 : vector<1x2048x128xf32> to vector<2048x128xf32>
    %get3A_14 = arith.constant 1 : index
    %get3A_15 = arith.constant 0 : index
    %get3A_16 = arith.constant 0 : index
    %get3A_17 = vector.load %arg1[%get3A_14, %get3A_15, %get3A_16] : memref<2x2048x128xf32, #tpu.memory_space<vmem>>, vector<1x2048x128xf32>
    %get3A_18 = vector.shape_cast %get3A_17 : vector<1x2048x128xf32> to vector<2048x128xf32>
    %add3A_19 = arith.addf %get3A_13, %get3A_18 : vector<2048x128xf32>
    %broadcast_in_dim3A = vector.shape_cast %div3A_8 : vector<2048xf32> to vector<2048x1xf32>
    %mul3A_20 = vector.broadcast %broadcast_in_dim3A : vector<2048x1xf32> to vector<2048x128xf32>
    %mul3A_21 = arith.mulf %add3A_19, %mul3A_20 : vector<2048x128xf32>
    %get3A_22 = arith.constant 0 : index
    %get3A_23 = arith.constant 0 : index
    %get3A_24 = vector.load %arg4[%get3A_22, %get3A_23] : memref<128x128xf32, #tpu.memory_space<vmem>>, vector<128x128xf32>
    %dot_general3A = arith.constant dense<0.000000e+00> : vector<2048x128xf32>
    %dot_general3A_25 = tpu.matmul %mul3A_21, %get3A_24, %dot_general3A {dimension_numbers = #tpu.dot_dimension_numbers<[1], [0], [0], [1], [0, 0, 1, 1], [], []>, transpose_lhs_hint = false} : vector<2048x128xf32>, vector<128x128xf32>, vector<2048x128xf32> -> vector<2048x128xf32>
    %get3A_26 = arith.constant 0 : index
    %get3A_27 = arith.constant 0 : index
    %get3A_28 = vector.load %arg3[%get3A_26, %get3A_27] : memref<2048x128xf32, #tpu.memory_space<vmem>>, vector<2048x128xf32>
    %get3A_29 = arith.constant 0 : index
    %get3A_30 = arith.constant 0 : index
    %get3A_31 = vector.load %arg6[%get3A_29, %get3A_30] : memref<128x128xf32, #tpu.memory_space<vmem>>, vector<128x128xf32>
    %dot_general3A_32 = arith.constant dense<0.000000e+00> : vector<2048x128xf32>
    %dot_general3A_33 = tpu.matmul %get3A_28, %get3A_31, %dot_general3A_32 {dimension_numbers = #tpu.dot_dimension_numbers<[1], [0], [0], [1], [0, 0, 1, 1], [], []>, transpose_lhs_hint = false} : vector<2048x128xf32>, vector<128x128xf32>, vector<2048x128xf32> -> vector<2048x128xf32>
    %add3A_34 = arith.addf %dot_general3A_25, %dot_general3A_33 : vector<2048x128xf32>
    %get3A_35 = arith.constant 0 : index
    %get3A_36 = arith.constant 0 : index
    %get3A_37 = vector.load %arg5[%get3A_35, %get3A_36] : memref<1x128xf32, #tpu.memory_space<vmem>>, vector<1x128xf32>
    %add3A_38 = vector.broadcast %get3A_37 : vector<1x128xf32> to vector<2048x128xf32>
    %add3A_39 = arith.addf %add3A_34, %add3A_38 : vector<2048x128xf32>
    %swap3A = arith.constant 0 : index
    %swap3A_40 = arith.constant 0 : index
    %swap3A_41 = vector.load %arg7[%swap3A, %swap3A_40] : memref<2048x128xf32, #tpu.memory_space<vmem>>, vector<2048x128xf32>
    tpu.vector_store %arg7[%swap3A, %swap3A_40], %add3A_39 {strides = array<i32>} : memref<2048x128xf32, #tpu.memory_space<vmem>>, vector<2048x128xf32>,
    return
  }
  func.func @transform_0(%arg0: i32) -> (i32, i32, i32) {
    %c0_i32 = arith.constant 0 : i32
    %c0_i32_0 = arith.constant 0 : i32
    %c0_i32_1 = arith.constant 0 : i32
    return %c0_i32, %arg0, %c0_i32_0 : i32, i32, i32
  }
  func.func @transform_1(%arg0: i32) -> (i32, i32) {
    %c0_i32 = arith.constant 0 : i32
    %c0_i32_0 = arith.constant 0 : i32
    %c0_i32_1 = arith.constant 0 : i32
    return %c0_i32, %c0_i32_0 : i32, i32
  }
  func.func @transform_2(%arg0: i32) -> (i32, i32) {
    %c0_i32 = arith.constant 0 : i32
    %c0_i32_0 = arith.constant 0 : i32
    return %arg0, %c0_i32 : i32, i32
  }
  func.func @transform_3(%arg0: i32) -> (i32, i32) {
    %c0_i32 = arith.constant 0 : i32
    %c0_i32_0 = arith.constant 0 : i32
    %c0_i32_1 = arith.constant 0 : i32
    return %c0_i32, %c0_i32_0 : i32, i32
  }
  func.func @transform_4(%arg0: i32) -> (i32, i32) {
    %c0_i32 = arith.constant 0 : i32
    %c0_i32_0 = arith.constant 0 : i32
    %c0_i32_1 = arith.constant 0 : i32
    return %c0_i32, %c0_i32_0 : i32, i32
  }
  func.func @transform_5(%arg0: i32) -> (i32, i32) {
    %c0_i32 = arith.constant 0 : i32
    %c0_i32_0 = arith.constant 0 : i32
    %c0_i32_1 = arith.constant 0 : i32
    return %c0_i32, %c0_i32_0 : i32, i32
  }
  func.func @transform_6(%arg0: i32) -> (i32, i32) {
    %c0_i32 = arith.constant 0 : i32
    %c0_i32_0 = arith.constant 0 : i32
    return %arg0, %c0_i32 : i32, i32
  }
}

</mosaic_0001>

<sc_bundles>
// kernel: kernel.6.cloned.1.call-start
scs
__scs_entry_jumppad:
0x0: {  	(pc) =	sbr.rel $0x88, $3  }
0x1: {  	(tag) =	ssettag $0x0;
	lr =	simm.s32 $0x1  }
0x2: {  	[smem:$0x3F99] =	sst lr;
	_ =	strace $0xD0000000  }
0x3: {  	_ = 	snop  }
0x4: {  	_ = 	snop  }
0x5: {  	_ = 	snop  }
0x6: {  	_ = 	snop  }
0x7: {  	_ = 	snop  }
__scs_overlays_trampoline_lowered:
0x8: {  	[smem:$0x3FA8] =	sst s0  }
0x9: {  	[smem:$0x3FA9] =	sst s1  }
0xa: {  	[smem:$0x3FAA] =	sst s2  }
0xb: {  	[smem:$0x3FAB] =	sst s3  }
0xc: {  	[smem:$0x3FAC] =	sst s4  }
0xd: {  	[smem:$0x3FAD] =	sst s5  }
0xe: {  	[smem:$0x3FAE] =	sst s6  }
0xf: {  	[smem:$0x3FAF] =	sst s7  }
0x10: {  	[smem:$0x3FB0] =	sst s8  }
0x11: {  	[smem:$0x3FB1] =	sst s9;
	s0 =	simm.s32 @!p0 $0x0  }
0x12: {  	s1 =	sld [smem:$0x3F97];
	s0 =	simm.s32 @p0 $0x1  }
0x13: {  	[smem:$0x3FB2] =	sst s0;
	s0 =	simm.s32 @!p1 $0x0  }
0x14: {  	s2 =	sld [smem:$0x3F96];
	s0 =	simm.s32 @p1 $0x1  }
0x15: {  	[smem:$0x3FB3] =	sst s0;
	s0 =	simm.s32 @!p2 $0x0  }
0x16: {  	s3 =	sld [smem:$0x3FDB];
	s0 =	simm.s32 @p2 $0x1  }
0x17: {  	s4 =	simm.s32 $0x1BF5;
	[smem:$0x3FB5] =	sst s0  }
0x18: {  	s0 =	sld [smem:$0x3F98];
	_ =	swait.ge [sflag:s4], $0x0  }
0x19: {  	s7 =	sld [smem:$0x3F99]  }
0x1a: {  	s8 =	sadd.s32 $0xFFFFE003, lr  }
0x1b: {  	s9 =	sadd.s32 $0xFFFFFEF7, lr;
	s5 =	simm.s32 $0xFFFFFFFF;
	p2 =	slt.u32 s8, $0xFFFFF086  }
0x1c: {  	p1 =	slt.u32 s9, $0xF7A;
	s5 =	simm.s32 @!p2 $0x0  }
0x1d: {  	s5 =	simm.s32 @p1 $0x1;
	p0 =	seq.s32 s7, s2  }
0x1e: {  	s7 =	smul.u32 @!p0 $0xF7A, s2;
	p2 =	seq.s32 @!p0 s5, $0x0  }
0x1f: {  	s9 =	smul.u32 $0xF7A, s1;
	s8 =	simm.s32 @!p0 $0x1BF5;
	p2 =	por !p2, p0  }
0x20: {  	[sflag:s8] =	ssyncset.s32 @!p0 $0xFFFFF086;
	s6 =	sadd.s32 @!p0 s3, s7;
	s7 =	simm.s32 @!p0 $0x108  }
0x21: {  	s3 =	sadd.s32 s3, s9;
	s6 =	sadd.s32 @!p0 $0x88, s6;
	s7 =	simm.s32 @p2 $0x1082  }
0x22: {  	[simem:s7], [sflag:s8] =	dma.local @!p0 [hbm:s6], $0xF7A  }
0x23: {  	s9 =	sor.u32 $0xD0000000, s2;
	s6 =	simm.s32 $0x108;
	_ =	swait.ge @!p0 [sflag:s8], $0x0  }
0x24: {  	s3 =	sadd.s32 $0x88, s3;
	s6 =	simm.s32 @!p1 $0x1082;
	[sflag:s4] =	ssyncset.s32 $0xFFFFF086  }
0x25: {  	[simem:s6], [sflag:s4] =	dma.local [hbm:s3], $0xF7A  }
0x26: {  	[smem:$0x3F99] =	sst s1;
	(tag) =	ssettag s2;
	_ =	strace s9  }
0x27: {  	s1 =	sld [smem:$0x3FA9]  }
0x28: {  	s2 =	sld [smem:$0x3FAA]  }
0x29: {  	s4 =	sld [smem:$0x3FAC]  }
0x2a: {  	p0 =	seq.s32 s5, $0x0;
	s5 =	sld [smem:$0x3FAD]  }
0x2b: {  	s6 =	sld [smem:$0x3FAE]  }
0x2c: {  	s7 =	sld [smem:$0x3FAF]  }
0x2d: {  	s3 =	simm.s32 $0x108;
	s8 =	sld [smem:$0x3FB0]  }
0x2e: {  	s3 =	simm.s32 @!p0 $0x1082;
	s9 =	sld [smem:$0x3FB1]  }
0x2f: {  	lr =	sadd.s32 s0, s3;
	s0 =	sld [smem:$0x3FA8]  }
0x30: {  	s3 =	sld [smem:$0x3FAB]  }
0x31: {  	[smem:$0x3FB4] =	sst s10  }
0x32: {  	s10 =	sld [smem:$0x3FB2];
	_ =	sdelay $0x3  }
0x33: {  	p0 =	seq.s32 s10, $0x1;
	s10 =	sld [smem:$0x3FB4];
	_ =	sdelay $0x3  }
0x34: {  	[smem:$0x3FB4] =	sst s10  }
0x35: {  	s10 =	sld [smem:$0x3FB3];
	_ =	sdelay $0x3  }
0x36: {  	p1 =	seq.s32 s10, $0x1;
	s10 =	sld [smem:$0x3FB4];
	_ =	sdelay $0x3  }
0x37: {  	[smem:$0x3FB4] =	sst s10  }
0x38: {  	s10 =	sld [smem:$0x3FB5]  }
0x39: {  	_ = 	snop;
	(pc) =	sbr.ind lr, $3  }
0x3a: {  	_ = 	snop  }
0x3b: {  	_ = 	snop  }
0x3c: {  	p2 =	seq.s32 s10, $0x1;
	s10 =	sld [smem:$0x3FB4]  }
0x3d: {  	_ =	shalt  }
0x3e: {  	_ =	shalt  }
0x3f: {  	_ =	shalt  }
0x40: {  	_ =	shalt  }
0x41: {  	_ =	shalt  }
0x42: {  	_ =	shalt  }
0x43: {  	_ =	shalt  }
0x44: {  	_ =	shalt  }
0x45: {  	_ =	shalt  }
0x46: {  	_ =	shalt  }
0x47: {  	_ =	shalt  }
0x48: {  	_ =	shalt  }
0x49: {  	_ =	shalt  }
0x4a: {  	_ =	shalt  }
0x4b: {  	_ =	shalt  }
0x4c: {  	_ =	shalt  }
0x4d: {  	_ =	shalt  }
0x4e: {  	_ =	shalt  }
0x4f: {  	_ =	shalt  }
0x50: {  	_ =	shalt  }
0x51: {  	_ =	shalt  }
0x52: {  	_ =	shalt  }
0x53: {  	_ =	shalt  }
0x54: {  	_ =	shalt  }
0x55: {  	_ =	shalt  }
0x56: {  	_ =	shalt  }
0x57: {  	_ =	shalt  }
0x58: {  	_ =	shalt  }
0x59: {  	_ =	shalt  }
0x5a: {  	_ =	shalt  }
0x5b: {  	_ =	shalt  }
0x5c: {  	_ =	shalt  }
0x5d: {  	_ =	shalt  }
0x5e: {  	_ =	shalt  }
0x5f: {  	_ =	shalt  }
0x60: {  	_ =	shalt  }
0x61: {  	_ =	shalt  }
0x62: {  	_ =	shalt  }
0x63: {  	_ =	shalt  }
0x64: {  	_ =	shalt  }
0x65: {  	_ =	shalt  }
0x66: {  	_ =	shalt  }
0x67: {  	_ =	shalt  }
0x68: {  	_ =	shalt  }
0x69: {  	_ =	shalt  }
0x6a: {  	_ =	shalt  }
0x6b: {  	_ =	shalt  }
0x6c: {  	_ =	shalt  }
0x6d: {  	_ =	shalt  }
0x6e: {  	_ =	shalt  }
0x6f: {  	_ =	shalt  }
0x70: {  	_ =	shalt  }
0x71: {  	_ =	shalt  }
0x72: {  	_ =	shalt  }
0x73: {  	_ =	shalt  }
0x74: {  	_ =	shalt  }
0x75: {  	_ =	shalt  }
0x76: {  	_ =	shalt  }
0x77: {  	_ =	shalt  }
0x78: {  	_ =	shalt  }
0x79: {  	_ =	shalt  }
0x7a: {  	_ =	shalt  }
0x7b: {  	_ =	shalt  }
0x7c: {  	_ =	shalt  }
0x7d: {  	_ =	shalt  }
0x7e: {  	_ =	shalt  }
0x7f: {  	_ =	shalt  }
0x80: {  	_ =	shalt  }
0x81: {  	_ =	shalt  }
0x82: {  	_ =	shalt  }
0x83: {  	_ =	shalt  }
0x84: {  	_ =	shalt  }
0x85: {  	_ =	shalt  }
0x86: {  	_ =	shalt  }
0x87: {  	_ =	shalt  }
.Lfunc_end0:
.L_simem_size_0:
called_computation_lowered:
.L_overlay_start_0:
0x88: {  	s2 =	sld [smem:$0x3FD9]  }
0x89: {  	s3 =	sld [smem:$0x3FFE];
	_ =	sdelay $0x1  }
0x8a: {  	s1 =	srdreg.scid  }
0x8b: {  	s0 =	sand.u32 $0x1, s1  }
0x8c: {  	s17 =	sshll.u32 s0, $0xA;
	s2 =	sadd.s32 s3, s2  }
0x8d: {  	s2 =	sadd.s32 s2, s17  }
0x8e: {  	[smem:$0x3FC0] =	sst s2  }
0x8f: {  	_ = 	snop  }
0x90: {  	s2 =	sld [smem:$0x3FC9]  }
0x91: {  	s18 =	sld [smem:$0x3FD0];
	(tm) =	ssettm $0x1  }
0x92: {  	s4 =	sld [smem:$0x3FFB];
	_ =	sdelay $0x3  }
0x93: {  	_ =	strace s4  }
0x94: {  	s4 =	sld [smem:$0x3FFC];
	_ =	sdelay $0x3  }
0x95: {  	_ =	strace s4  }
0x96: {  	s4 =	sld [smem:$0x3FFD];
	_ =	sdelay $0x3  }
0x97: {  	_ =	strace s4  }
0x98: {  	_ =	strace $0x8FFFFFFF  }
0x99: {  	s19 =	sld [smem:$0x3FDB];
	_ =	sdelay $0x1  }
0x9a: {  	s5 =	simm.s32 $_scs_section_size  }
0x9b: {  	s6 =	simm.s32 $_size__tile_overlayer_lowered;
	s7 =	simm.s32 $_tile_overlayer_lowered  }
0x9c: {  	s22 =	simm.s32 $0x1BFF;
	s21 =	sshll.u32 s7, $0x1;
	s4 =	sadd.s32 s5, s19  }
0x9d: {  	s8 =	simm.s32 $0x0;
	s20 =	sshll.u32 s6, $0x1;
	s6 =	sadd.s32 s21, s4  }
0x9e: {  	[timem:s8], [sflag:s22] =	dma.local [hbm:s6], s20  }
0x9f: {  	_ =	swait.ge [sflag:s22], s20  }
0xa0: {  	s5 =	ssub.s32 $0x0, s20;
	[sflag:s22] =	ssyncset.done $0x0  }
0xa1: {  	[sflag:s22] =	ssyncadd.s32 s5;
	_ =	sdelay $0x1  }
0xa2: {  	s23 =	simm.s32 $0x1B8B  }
0xa3: {  	_ =	swait.ge [sflag:s23], $0x1  }
0xa4: {  	[sflag:s23] =	ssyncset.done $0x0  }
0xa5: {  	s25 =	simm.s32 $0x1B8E;
	s24 =	sld [smem:$0x3FFE];
	[sflag:s23] =	ssyncadd.s32 $0xFFFFFFFF  }
0xa6: {  	s26 =	simm.s32 $execute0_lowered;
	[smem:$0x3FD2] =	sst s25  }
0xa7: {  	s6 =	sshll.u32 s26, $0x1;
	_ =	strace $0x80000046;
	[dreg:$0x1] =	wrdreg $0xFFFFFFFF  }
0xa8: {  	s28 =	simm.s32 $_size_execute0_lowered;
	s4 =	sadd.s32 s4, s6;
	[dreg:$0x0] =	wrdreg $0x0  }
0xa9: {  	s6 =	sshll.u32 s28, $0x1;
	[dreg:$0x2] =	wrdreg s4  }
0xaa: {  	[dreg:$0x3] =	wrdreg s6  }
0xab: {  	[dreg:$0x4] =	wrdreg $0xC0  }
0xac: {  	_ =	task [dreg:s8], $0x5FFFF  }
0xad: {  	[dreg:$0x1] =	wrdreg $0xFFFFFFFF  }
0xae: {  	[dreg:$0x0] =	wrdreg $0x60  }
0xaf: {  	[dreg:$0x2] =	wrdreg s2  }
0xb0: {  	[dreg:$0x3] =	wrdreg s24  }
0xb1: {  	[dreg:$0x4] =	wrdreg s18  }
0xb2: {  	[dreg:$0x5] =	wrdreg $0xAB000  }
0xb3: {  	[dreg:$0x6] =	wrdreg $0x1EB000  }
0xb4: {  	[dreg:$0x7] =	wrdreg $0x9  }
0xb5: {  	_ =	task.clear_ibuf [dreg:s8], $0x8FFFF;
	_ =	strace $0x90000046  }
0xb6: {  	s29 =	simm.s32 $0x9;
	_ =	strace $0x80000048  }
0xb7: {  	_ =	swait.ge [sflag:s29], $0x1  }
0xb8: {  	[sflag:s29] =	ssyncadd.s32 $0xFFFFFFFF  }
0xb9: {  	_ =	strace $0x90000048  }
0xba: {  	_ =	sfence  }
0xbb: {  	s30 =	sld [smem:$0x0];
	_ =	sdelay $0x2  }
0xbc: {  	s31 =	sshll.u32 s1, $0xD;
	s1 =	sshrl.u32 s1, $0x2  }
0xbd: {  	s3 =	sand.u32 $0x4000, s31;
	s1 =	sadd.s32 s1, s30  }
0xbe: {  	s0 =	sor.u32 s3, s0;
	s1 =	sshll.u32 s1, $0x11  }
0xbf: {  	s0 =	sor.u32 s1, s0  }
0xc0: {  	s0 =	sadd.s32 $0x8F2B, s0  }
0xc1: {  	[sflag:s0] =	ssyncadd.remote.s32 $0x1  }
0xc2: {  	_ =	sfence.sel $0xFFFF  }
0xc3: {  	[dreg:$0x0] =	wrdreg $0xFFFFFFFF;
	(pc) =	sbr.abs _section_cstart, $3  }
0xc4: {  	[dreg:$0x1] =	wrdreg $0xFFFFFFFF  }
0xc5: {  	_ =	task.clear_ibuf [dreg:s8], $0x2FFFF;
	_ =	strace $0x9FFFFFFF  }
0xc6: {  	(tm) =	ssettm $0x7FFFFFFF  }
0xc7: {  	_ =	shalt  }
tec
execute0_lowered:
.L_overlay_start_1:
0x0: {  	(tag) =	ssettag $0x1  }
0x1: {  	s0 =	rddreg [dreg:$0x0]  }
0x2: {  	s1 =	rddreg [dreg:$0x1]  }
0x3: {  	s17 =	rddreg [dreg:$0x2]  }
0x4: {  	s3 =	rddreg [dreg:$0x3];
	s2 =	srdreg.scid  }
0x5: {  	s4 =	rddreg [dreg:$0x4];
	s23 =	stileid.u32;
	s5 =	simm.s32 $0x0  }
0x6: {  	s22 =	simm.s32 $0x1400;
	s28 =	simm.s32 $0x2;
	s29 =	simm.s32 $0x2700  }
0x7: {  	s30 =	simm.s32 $0x2780;
	s31 =	simm.s32 $0x3;
	s7 =	smul.u32 $0x14000, s23  }
0x8: {  	s10 =	sand.u32 $0x1, s2;
	[smem:$0x7FF] =	sst s5;
	s24 =	smul.u32 $0x50000, s23  }
0x9: {  	s14 =	sadd.s32 $0x2200, s1;
	s15 =	sadd.s32 $0xC200, s1;
	s16 =	smul.u32 $0x280, s23  }
0xa: {  	s6 =	smul.u32 $0x140000, s10;
	_ =	strace $0x80000047;
	s25 =	ssub.s32 $0x2, s10  }
0xb: {  	s8 =	sshll.u32 s10, $0x4;
	s20 =	smul.u32 $0x2800, s10;
	s9 =	sshrl.u32 s25, $0x1  }
0xc: {  	s8 =	sor.u32 s23, s8;
	s23 =	simm.s32 $0x80;
	s6 =	sadd.s32 s7, s6  }
0xd: {  	s7 =	sshrl.u32 s24, $0x2;
	s18 =	ssub.s32 s25, s9;
	s11 =	smul.u32 $0x2800, s8  }
0xe: {  	s24 =	simm.s32 $0x6800;
	s25 =	simm.s32 $0x1;
	s6 =	sshrl.u32 s6, $0x3  }
0xf: {  	s18 =	smax.u32 s18, $0x1;
	s1 =	sadd.s32 s6, s1;
	s6 =	sadd.s32 s7, s3  }
0x10: {  	s19 =	sshrl.u32 s11, $0x3;
	s11 =	sadd.s32 s16, s4;
	s16 =	sadd.s32 s16, s20  }
0x11: {  	s20 =	simm.s32 $0x4;
	s7 =	sadd.s32 $0x4000, s6;
	s8 =	sadd.s32 $0x8000, s6  }
0x12: {  	s9 =	sadd.s32 $0xC000, s6;
	s10 =	sadd.s32 $0x10000, s6;
	s12 =	sadd.s32 s14, s19  }
0x13: {  	s13 =	sadd.s32 s15, s19;
	s19 =	sadd.s32 $0x280, s19;
	s26 =	sshrl.u32 s16, $0x3  }
0x14: {  	s16 =	sadd.s32 $0x16200, s1;
	s14 =	sadd.s32 s14, s19;
	s15 =	sadd.s32 s15, s19  }
0x15: {  	v0 =	vimm.f32 $0.0e+00;
	v1 =	vimm.f32 $1.000000000e+00;
	s17 =	sadd.s32 s17, s26;
	s19 =	simm.s32 $0x2800;
	s26 =	simm.s32 $0xA800  }
.LBB2_1:
0x16: {  	s1 =	simm.s32 $0x0;
	s21 =	simm.s32 $0x200  }
.LBB2_2:
0x17: {  	p0 =	sne.s32 s21, $0xFE00;
	[tilespmem:s1+$0x2870] =	vst v0  }
0x18: {  	[tilespmem:s1+$0x2800] =	vst v0  }
0x19: {  	[tilespmem:s1+$0x2810] =	vst v0  }
.Ltmp0:
0x1a: {  	[tilespmem:s1+$0x2820] =	vst v0;
	(pc) =	sbr.rel @p0 .LBB2_2-.Ltmp0, $4  }
0x1b: {  	[tilespmem:s1+$0x2830] =	vst v0  }
0x1c: {  	[tilespmem:s1+$0x2840] =	vst v0  }
0x1d: {  	[tilespmem:s1+$0x2850] =	vst v0  }
0x1e: {  	[tilespmem:s1+$0x2860] =	vst v0;
	s1 =	sshra.s32 s21, $0x2;
	s21 =	sadd.s32 $0x200, s21  }
0x1f: {  	[tilespmem:s1+$0x2870] =	vst v0  }
0x20: {  	[tilespmem:s1+$0x2800] =	vst v0  }
0x21: {  	[tilespmem:s1+$0x2810] =	vst v0  }
0x22: {  	[tilespmem:s1+$0x2820] =	vst v0  }
0x23: {  	[tilespmem:s1+$0x2830] =	vst v0  }
0x24: {  	[tilespmem:s1+$0x2840] =	vst v0  }
0x25: {  	[tilespmem:s1+$0x2850] =	vst v0  }
0x26: {  	[tilespmem:s1+$0x2860] =	vst v0  }
0x27: {  	[spmem:s6] =	stream.linear.scatter [tilespmem:s19], [sflag:$0x4], $0x4000, $0x38;
	[tilespmem:$0x1ED80] =	vst v63  }
0x28: {  	_ =	swait.ge [sflag:s20], $0x4000  }
0x29: {  	[sflag:s20] =	ssyncset.done $0x0  }
0x2a: {  	[sflag:s20] =	ssyncadd.s32 $0xFFFFC000  }
0x2b: {  	[spmem:s7] =	stream.linear.scatter [tilespmem:s19], [sflag:$0x4], $0x4000, $0x38;
	[tilespmem:$0x1ED80] =	vst v63  }
0x2c: {  	_ =	swait.ge [sflag:s20], $0x4000  }
0x2d: {  	[sflag:s20] =	ssyncset.done $0x0  }
0x2e: {  	[sflag:s20] =	ssyncadd.s32 $0xFFFFC000  }
0x2f: {  	[spmem:s8] =	stream.linear.scatter [tilespmem:s19], [sflag:$0x4], $0x4000, $0x38;
	[tilespmem:$0x1ED80] =	vst v63  }
0x30: {  	_ =	swait.ge [sflag:s20], $0x4000  }
0x31: {  	[sflag:s20] =	ssyncset.done $0x0  }
0x32: {  	[sflag:s20] =	ssyncadd.s32 $0xFFFFC000  }
0x33: {  	[spmem:s9] =	stream.linear.scatter [tilespmem:s19], [sflag:$0x4], $0x4000, $0x38;
	[tilespmem:$0x1ED80] =	vst v63  }
0x34: {  	_ =	swait.ge [sflag:s20], $0x4000  }
0x35: {  	[sflag:s20] =	ssyncset.done $0x0  }
0x36: {  	[sflag:s20] =	ssyncadd.s32 $0xFFFFC000  }
0x37: {  	[spmem:s10] =	stream.linear.scatter [tilespmem:s19], [sflag:$0x4], $0x4000, $0x38;
	[tilespmem:$0x1ED80] =	vst v63  }
0x38: {  	_ =	swait.ge [sflag:s20], $0x4000  }
0x39: {  	[sflag:s20] =	ssyncset.done $0x0  }
0x3a: {  	[sflag:s20] =	ssyncadd.s32 $0xFFFFC000  }
0x3b: {  	[tilespmem:$0xA800] =	vst v1  }
0x3c: {  	[tilespmem:$0xA810] =	vst v1  }
0x3d: {  	[tilespmem:$0xA820] =	vst v1  }
0x3e: {  	[tilespmem:$0xA830] =	vst v1  }
0x3f: {  	[tilespmem:$0xA840] =	vst v1  }
0x40: {  	[tilespmem:$0xA850] =	vst v1  }
0x41: {  	[tilespmem:$0xA860] =	vst v1  }
0x42: {  	[tilespmem:$0xA870] =	vst v1  }
0x43: {  	[tilespmem:$0xA880] =	vst v0  }
0x44: {  	[tilespmem:$0xA890] =	vst v0  }
0x45: {  	[tilespmem:$0xA8A0] =	vst v0  }
0x46: {  	[tilespmem:$0xA8B0] =	vst v0  }
0x47: {  	[tilespmem:$0xA8C0] =	vst v0  }
0x48: {  	[tilespmem:$0xA8D0] =	vst v0  }
0x49: {  	[tilespmem:$0xA8E0] =	vst v0  }
0x4a: {  	[tilespmem:$0xA8F0] =	vst v0  }
0x4b: {  	[tilespmem:$0xA900] =	vst v0  }
0x4c: {  	[tilespmem:$0xA910] =	vst v0  }
0x4d: {  	[tilespmem:$0xA920] =	vst v0  }
0x4e: {  	[tilespmem:$0xA930] =	vst v0  }
0x4f: {  	[tilespmem:$0xA940] =	vst v0  }
0x50: {  	[tilespmem:$0xA950] =	vst v0  }
0x51: {  	[tilespmem:$0xA960] =	vst v0  }
0x52: {  	[tilespmem:$0xA970] =	vst v0  }
0x53: {  	[tilespmem:$0xA980] =	vst v0  }
0x54: {  	[tilespmem:$0xA990] =	vst v0  }
0x55: {  	[tilespmem:$0xA9A0] =	vst v0  }
0x56: {  	[tilespmem:$0xA9B0] =	vst v0  }
0x57: {  	[tilespmem:$0xA9C0] =	vst v0  }
0x58: {  	[tilespmem:$0xA9D0] =	vst v0  }
0x59: {  	[tilespmem:$0xA9E0] =	vst v0  }
0x5a: {  	[tilespmem:$0xA9F0] =	vst v0  }
0x5b: {  	[tilespmem:$0xAA00] =	vst v0  }
0x5c: {  	[tilespmem:$0xAA10] =	vst v0  }
0x5d: {  	[tilespmem:$0xAA20] =	vst v0  }
0x5e: {  	[tilespmem:$0xAA30] =	vst v0  }
0x5f: {  	[tilespmem:$0xAA40] =	vst v0  }
0x60: {  	[tilespmem:$0xAA50] =	vst v0  }
0x61: {  	[tilespmem:$0xAA60] =	vst v0  }
0x62: {  	[tilespmem:$0xAA70] =	vst v0  }
0x63: {  	[tilespmem:$0xAA80] =	vst v0  }
0x64: {  	[tilespmem:$0xAA90] =	vst v0  }
0x65: {  	[tilespmem:$0xAAA0] =	vst v0  }
0x66: {  	[tilespmem:$0xAAB0] =	vst v0  }
0x67: {  	[tilespmem:$0xAAC0] =	vst v0  }
0x68: {  	[tilespmem:$0xAAD0] =	vst v0  }
0x69: {  	[tilespmem:$0xAAE0] =	vst v0  }
0x6a: {  	s21 =	simm.s32 $0xA880;
	[tilespmem:$0xAAF0] =	vst v0  }
0x6b: {  	[spmem:s11] =	stream.linear.scatter [tilespmem:s21], [sflag:$0x4], $0x280, $0x38;
	[tilespmem:$0x1ED80] =	vst v63  }
0x6c: {  	_ =	swait.ge [sflag:s20], $0x280  }
0x6d: {  	[sflag:s20] =	ssyncset.done $0x0  }
0x6e: {  	[sflag:s20] =	ssyncadd.s32 $0xFFFFFD80  }
0x6f: {  	s2 =	simm.s32 $0x0;
	[bflag:$0x0] =	sbarrier.arrive $0xFFFF  }
0x70: {  	[tilespmem:s2], [sflag:$0x4] =	stream.linear.gather [hbm4b:s12+s2], $0x1400, $0x38;
	[tilespmem:$0x1ED80] =	vst v63  }
0x71: {  	_ =	swait.ge [sflag:s20], $0x1400  }
0x72: {  	[sflag:s20] =	ssyncset.done $0x0  }
0x73: {  	[sflag:s20] =	ssyncadd.s32 $0xFFFFEC00  }
0x74: {  	[tilespmem:s22], [sflag:$0x4] =	stream.linear.gather [hbm4b:s13+s2], $0x1400, $0x38;
	[tilespmem:$0x1ED80] =	vst v63  }
0x75: {  	_ =	swait.ge [sflag:s20], $0x1400  }
0x76: {  	[sflag:s20] =	ssyncset.done $0x0  }
0x77: {  	[sflag:s20] =	ssyncadd.s32 $0xFFFFEC00  }
0x78: {  	[tilespmem:s19], [sflag:$0x1] =	stream.indirect.gather [hbm4b:s0+s23], $0x80, s2, s23, $0xb8;
	[tilespmem:$0x1ED80] =	vst v63  }
0x79: {  	_ = 	snop  }
0x7a: {  	[tilespmem:s24], [sflag:$0x2] =	stream.indirect.gather [hbm4b:s0+s23], $0x80, s23, s23, $0xb8;
	[tilespmem:$0x1ED80] =	vst v63  }
0x7b: {  	_ =	swait.ge [sflag:s25], $0x4000  }
0x7c: {  	[sflag:s25] =	ssyncset.done $0x0  }
0x7d: {  	s21 =	simm.s32 $0x1400;
	[sflag:s25] =	ssyncadd.s32 $0xFFFFC000  }
0x7e: {  	[spmem:s4] =	stream.indirect.scatter.add.f32 [tilespmem:s26], [sflag:$0x3], $0x1, s21, s23, $0xb8;
	[tilespmem:$0x1ED80] =	vst v63  }
0x7f: {  	_ = 	snop  }
0x80: {  	[spmem:s3] =	stream.indirect.scatter.add.f32 [tilespmem:s19], [sflag:$0x4], $0x80, s21, s23, $0xb8;
	[tilespmem:$0x1ED80] =	vst v63  }
0x81: {  	_ =	swait.ge [sflag:s20], $0x4000  }
0x82: {  	[sflag:s20] =	ssyncset.done $0x0  }
0x83: {  	s2 =	simm.s32 $0x100;
	[sflag:s20] =	ssyncadd.s32 $0xFFFFC000  }
0x84: {  	[tilespmem:s19], [sflag:$0x1] =	stream.indirect.gather [hbm4b:s0+s23], $0x80, s2, s23, $0xb8;
	[tilespmem:$0x1ED80] =	vst v63  }
0x85: {  	_ =	swait.ge [sflag:s28], $0x4000  }
0x86: {  	[sflag:s28] =	ssyncset.done $0x0  }
0x87: {  	s21 =	simm.s32 $0x1480;
	[sflag:s28] =	ssyncadd.s32 $0xFFFFC000  }
0x88: {  	[spmem:s4] =	stream.indirect.scatter.add.f32 [tilespmem:s26], [sflag:$0x3], $0x1, s21, s23, $0xb8;
	[tilespmem:$0x1ED80] =	vst v63  }
0x89: {  	_ = 	snop  }
0x8a: {  	[spmem:s3] =	stream.indirect.scatter.add.f32 [tilespmem:s24], [sflag:$0x4], $0x80, s21, s23, $0xb8;
	[tilespmem:$0x1ED80] =	vst v63  }
0x8b: {  	_ =	swait.ge [sflag:s20], $0x4000  }
0x8c: {  	[sflag:s20] =	ssyncset.done $0x0  }
0x8d: {  	s1 =	simm.s32 $0x400;
	s21 =	simm.s32 $0x180;
	[sflag:s20] =	ssyncadd.s32 $0xFFFFC000  }
.LBB2_4:
0x8e: {  	[tilespmem:s24], [sflag:$0x2] =	stream.indirect.gather [hbm4b:s0+s23], $0x80, s21, s23, $0xb8;
	[tilespmem:$0x1ED80] =	vst v63  }
0x8f: {  	s21 =	smov.u32 s1  }
0x90: {  	p0 =	sne.s32 s1, $0x4800;
	s1 =	sadd.s32 $0x400, s1;
	_ =	swait.ge [sflag:s25], $0x4000  }
0x91: {  	s21 =	sshra.s32 s21, $0x2;
	[sflag:s25] =	ssyncset.done $0x0  }
0x92: {  	s2 =	sadd.s32 $0x1400, s21;
	[sflag:s25] =	ssyncadd.s32 $0xFFFFC000  }
0x93: {  	[spmem:s4] =	stream.indirect.scatter.add.f32 [tilespmem:s26], [sflag:$0x3], $0x1, s2, s23, $0xb8;
	[tilespmem:$0x1ED80] =	vst v63  }
0x94: {  	_ = 	snop  }
0x95: {  	[spmem:s3] =	stream.indirect.scatter.add.f32 [tilespmem:s19], [sflag:$0x4], $0x80, s2, s23, $0xb8;
	[tilespmem:$0x1ED80] =	vst v63  }
0x96: {  	_ =	swait.ge [sflag:s20], $0x4000  }
0x97: {  	[sflag:s20] =	ssyncset.done $0x0  }
0x98: {  	s2 =	sadd.s32 $0x100, s21;
	[sflag:s20] =	ssyncadd.s32 $0xFFFFC000  }
0x99: {  	[tilespmem:s19], [sflag:$0x1] =	stream.indirect.gather [hbm4b:s0+s23], $0x80, s2, s23, $0xb8;
	[tilespmem:$0x1ED80] =	vst v63  }
0x9a: {  	_ =	swait.ge [sflag:s28], $0x4000  }
0x9b: {  	[sflag:s28] =	ssyncset.done $0x0  }
0x9c: {  	s2 =	sadd.s32 $0x1480, s21;
	[sflag:s28] =	ssyncadd.s32 $0xFFFFC000  }
0x9d: {  	[spmem:s4] =	stream.indirect.scatter.add.f32 [tilespmem:s26], [sflag:$0x3], $0x1, s2, s23, $0xb8;
	[tilespmem:$0x1ED80] =	vst v63  }
.Ltmp1:
0x9e: {  	(pc) =	sbr.rel @p0 .LBB2_4-.Ltmp1, $4  }
0x9f: {  	[spmem:s3] =	stream.indirect.scatter.add.f32 [tilespmem:s24], [sflag:$0x4], $0x80, s2, s23, $0xb8;
	[tilespmem:$0x1ED80] =	vst v63  }
0xa0: {  	_ =	swait.ge [sflag:s20], $0x4000  }
0xa1: {  	[sflag:s20] =	ssyncset.done $0x0  }
0xa2: {  	s21 =	sadd.s32 $0x180, s21;
	[sflag:s20] =	ssyncadd.s32 $0xFFFFC000  }
0xa3: {  	[tilespmem:s24], [sflag:$0x2] =	stream.indirect.gather [hbm4b:s0+s23], $0x80, s21, s23, $0xb8;
	[tilespmem:$0x1ED80] =	vst v63  }
0xa4: {  	_ =	swait.ge [sflag:s25], $0x4000  }
0xa5: {  	[sflag:s25] =	ssyncset.done $0x0  }
0xa6: {  	[sflag:s25] =	ssyncadd.s32 $0xFFFFC000  }
0xa7: {  	[spmem:s4] =	stream.indirect.scatter.add.f32 [tilespmem:s26], [sflag:$0x3], $0x1, s29, s23, $0xb8;
	[tilespmem:$0x1ED80] =	vst v63  }
0xa8: {  	_ = 	snop  }
0xa9: {  	[spmem:s3] =	stream.indirect.scatter.add.f32 [tilespmem:s19], [sflag:$0x4], $0x80, s29, s23, $0xb8;
	[tilespmem:$0x1ED80] =	vst v63  }
0xaa: {  	_ =	swait.ge [sflag:s20], $0x4000  }
0xab: {  	[sflag:s20] =	ssyncset.done $0x0  }
0xac: {  	[sflag:s20] =	ssyncadd.s32 $0xFFFFC000  }
0xad: {  	_ =	swait.ge [sflag:s28], $0x4000  }
0xae: {  	[sflag:s28] =	ssyncset.done $0x0  }
0xaf: {  	[sflag:s28] =	ssyncadd.s32 $0xFFFFC000  }
0xb0: {  	[spmem:s4] =	stream.indirect.scatter.add.f32 [tilespmem:s26], [sflag:$0x3], $0x1, s30, s23, $0xb8;
	[tilespmem:$0x1ED80] =	vst v63  }
0xb1: {  	_ = 	snop  }
0xb2: {  	[spmem:s3] =	stream.indirect.scatter.add.f32 [tilespmem:s24], [sflag:$0x4], $0x80, s30, s23, $0xb8;
	[tilespmem:$0x1ED80] =	vst v63  }
0xb3: {  	_ =	swait.ge [sflag:s20], $0x4000  }
0xb4: {  	[sflag:s20] =	ssyncset.done $0x0  }
0xb5: {  	[sflag:s20] =	ssyncadd.s32 $0xFFFFC000  }
0xb6: {  	_ =	swait.ge [sflag:s31], $0x80  }
0xb7: {  	s1 =	simm.s32 $0x27;
	[sflag:s31] =	ssyncset.done $0x0  }
.LBB2_6:
0xb8: {  	p0 =	sne.s32 s1, $0x1;
	s1 =	sadd.s32 $0xFFFFFFFF, s1;
	[sflag:s31] =	ssyncadd.s32 $0xFFFFFF80  }
.Ltmp2:
0xb9: {  	(pc) =	sbr.rel @p0 .LBB2_6-.Ltmp2, $3  }
0xba: {  	_ =	sdelay $0x1  }
0xbb: {  	_ =	swait.ge [sflag:s31], $0x80  }
0xbc: {  	[sflag:s31] =	ssyncset.done $0x0  }
0xbd: {  	[sflag:s31] =	ssyncadd.s32 $0xFFFFFF80;
	s1 =	simm.s32 $0x0  }
0xbe: {  	[tilespmem:s1], [sflag:$0x4] =	stream.linear.gather [hbm4b:s14+s1], $0x1400, $0x38;
	[tilespmem:$0x1ED80] =	vst v63  }
0xbf: {  	_ =	swait.ge [sflag:s20], $0x1400  }
0xc0: {  	[sflag:s20] =	ssyncset.done $0x0  }
0xc1: {  	[sflag:s20] =	ssyncadd.s32 $0xFFFFEC00  }
0xc2: {  	[tilespmem:s22], [sflag:$0x4] =	stream.linear.gather [hbm4b:s15+s1], $0x1400, $0x38;
	[tilespmem:$0x1ED80] =	vst v63  }
0xc3: {  	_ =	swait.ge [sflag:s20], $0x1400  }
0xc4: {  	[sflag:s20] =	ssyncset.done $0x0  }
0xc5: {  	[sflag:s20] =	ssyncadd.s32 $0xFFFFEC00  }
0xc6: {  	[tilespmem:s19], [sflag:$0x1] =	stream.indirect.gather [hbm4b:s0+s23], $0x80, s1, s23, $0xb8;
	[tilespmem:$0x1ED80] =	vst v63  }
0xc7: {  	_ = 	snop  }
0xc8: {  	[tilespmem:s24], [sflag:$0x2] =	stream.indirect.gather [hbm4b:s0+s23], $0x80, s23, s23, $0xb8;
	[tilespmem:$0x1ED80] =	vst v63  }
0xc9: {  	_ =	swait.ge [sflag:s25], $0x4000  }
0xca: {  	[sflag:s25] =	ssyncset.done $0x0  }
0xcb: {  	s21 =	simm.s32 $0x1400;
	[sflag:s25] =	ssyncadd.s32 $0xFFFFC000  }
0xcc: {  	[spmem:s4] =	stream.indirect.scatter.add.f32 [tilespmem:s26], [sflag:$0x3], $0x1, s21, s23, $0xb8;
	[tilespmem:$0x1ED80] =	vst v63  }
0xcd: {  	_ = 	snop  }
0xce: {  	[spmem:s3] =	stream.indirect.scatter.add.f32 [tilespmem:s19], [sflag:$0x4], $0x80, s21, s23, $0xb8;
	[tilespmem:$0x1ED80] =	vst v63  }
0xcf: {  	_ =	swait.ge [sflag:s20], $0x4000  }
0xd0: {  	[sflag:s20] =	ssyncset.done $0x0  }
0xd1: {  	s2 =	simm.s32 $0x100;
	[sflag:s20] =	ssyncadd.s32 $0xFFFFC000  }
0xd2: {  	[tilespmem:s19], [sflag:$0x1] =	stream.indirect.gather [hbm4b:s0+s23], $0x80, s2, s23, $0xb8;
	[tilespmem:$0x1ED80] =	vst v63  }
0xd3: {  	_ =	swait.ge [sflag:s28], $0x4000  }
0xd4: {  	[sflag:s28] =	ssyncset.done $0x0  }
0xd5: {  	s21 =	simm.s32 $0x1480;
	[sflag:s28] =	ssyncadd.s32 $0xFFFFC000  }
0xd6: {  	[spmem:s4] =	stream.indirect.scatter.add.f32 [tilespmem:s26], [sflag:$0x3], $0x1, s21, s23, $0xb8;
	[tilespmem:$0x1ED80] =	vst v63  }
0xd7: {  	_ = 	snop  }
0xd8: {  	[spmem:s3] =	stream.indirect.scatter.add.f32 [tilespmem:s24], [sflag:$0x4], $0x80, s21, s23, $0xb8;
	[tilespmem:$0x1ED80] =	vst v63  }
0xd9: {  	_ =	swait.ge [sflag:s20], $0x4000  }
0xda: {  	[sflag:s20] =	ssyncset.done $0x0  }
0xdb: {  	s1 =	simm.s32 $0x400;
	s21 =	simm.s32 $0x180;
	[sflag:s20] =	ssyncadd.s32 $0xFFFFC000  }
.LBB2_8:
0xdc: {  	[tilespmem:s24], [sflag:$0x2] =	stream.indirect.gather [hbm4b:s0+s23], $0x80, s21, s23, $0xb8;
	[tilespmem:$0x1ED80] =	vst v63  }
0xdd: {  	s2 =	smov.u32 s1  }
0xde: {  	p0 =	sne.s32 s1, $0x4800;
	s1 =	sadd.s32 $0x400, s1;
	_ =	swait.ge [sflag:s25], $0x4000  }
0xdf: {  	s2 =	sshra.s32 s2, $0x2;
	[sflag:s25] =	ssyncset.done $0x0  }
0xe0: {  	s21 =	sadd.s32 $0x1400, s2;
	[sflag:s25] =	ssyncadd.s32 $0xFFFFC000  }
0xe1: {  	[spmem:s4] =	stream.indirect.scatter.add.f32 [tilespmem:s26], [sflag:$0x3], $0x1, s21, s23, $0xb8;
	[tilespmem:$0x1ED80] =	vst v63  }
0xe2: {  	_ = 	snop  }
0xe3: {  	[spmem:s3] =	stream.indirect.scatter.add.f32 [tilespmem:s19], [sflag:$0x4], $0x80, s21, s23, $0xb8;
	[tilespmem:$0x1ED80] =	vst v63  }
0xe4: {  	_ =	swait.ge [sflag:s20], $0x4000  }
0xe5: {  	[sflag:s20] =	ssyncset.done $0x0  }
0xe6: {  	s21 =	sadd.s32 $0x100, s2;
	[sflag:s20] =	ssyncadd.s32 $0xFFFFC000  }
0xe7: {  	[tilespmem:s19], [sflag:$0x1] =	stream.indirect.gather [hbm4b:s0+s23], $0x80, s21, s23, $0xb8;
	[tilespmem:$0x1ED80] =	vst v63  }
0xe8: {  	_ =	swait.ge [sflag:s28], $0x4000  }
0xe9: {  	[sflag:s28] =	ssyncset.done $0x0  }
0xea: {  	s21 =	sadd.s32 $0x1480, s2;
	[sflag:s28] =	ssyncadd.s32 $0xFFFFC000  }
0xeb: {  	[spmem:s4] =	stream.indirect.scatter.add.f32 [tilespmem:s26], [sflag:$0x3], $0x1, s21, s23, $0xb8;
	[tilespmem:$0x1ED80] =	vst v63  }
.Ltmp3:
0xec: {  	(pc) =	sbr.rel @p0 .LBB2_8-.Ltmp3, $4  }
0xed: {  	[spmem:s3] =	stream.indirect.scatter.add.f32 [tilespmem:s24], [sflag:$0x4], $0x80, s21, s23, $0xb8;
	[tilespmem:$0x1ED80] =	vst v63  }
0xee: {  	_ =	swait.ge [sflag:s20], $0x4000  }
0xef: {  	[sflag:s20] =	ssyncset.done $0x0  }
0xf0: {  	s21 =	sadd.s32 $0x180, s2;
	[sflag:s20] =	ssyncadd.s32 $0xFFFFC000  }
0xf1: {  	[tilespmem:s24], [sflag:$0x2] =	stream.indirect.gather [hbm4b:s0+s23], $0x80, s21, s23, $0xb8;
	[tilespmem:$0x1ED80] =	vst v63  }
0xf2: {  	_ =	swait.ge [sflag:s25], $0x4000  }
0xf3: {  	[sflag:s25] =	ssyncset.done $0x0  }
0xf4: {  	[sflag:s25] =	ssyncadd.s32 $0xFFFFC000  }
0xf5: {  	[spmem:s4] =	stream.indirect.scatter.add.f32 [tilespmem:s26], [sflag:$0x3], $0x1, s29, s23, $0xb8;
	[tilespmem:$0x1ED80] =	vst v63  }
0xf6: {  	_ = 	snop  }
0xf7: {  	[spmem:s3] =	stream.indirect.scatter.add.f32 [tilespmem:s19], [sflag:$0x4], $0x80, s29, s23, $0xb8;
	[tilespmem:$0x1ED80] =	vst v63  }
0xf8: {  	_ =	swait.ge [sflag:s20], $0x4000  }
0xf9: {  	[sflag:s20] =	ssyncset.done $0x0  }
0xfa: {  	[sflag:s20] =	ssyncadd.s32 $0xFFFFC000  }
0xfb: {  	_ =	swait.ge [sflag:s28], $0x4000  }
0xfc: {  	[sflag:s28] =	ssyncset.done $0x0  }
0xfd: {  	[sflag:s28] =	ssyncadd.s32 $0xFFFFC000  }
0xfe: {  	[spmem:s4] =	stream.indirect.scatter.add.f32 [tilespmem:s26], [sflag:$0x3], $0x1, s30, s23, $0xb8;
	[tilespmem:$0x1ED80] =	vst v63  }
0xff: {  	_ = 	snop  }
0x100: {  	[spmem:s3] =	stream.indirect.scatter.add.f32 [tilespmem:s24], [sflag:$0x4], $0x80, s30, s23, $0xb8;
	[tilespmem:$0x1ED80] =	vst v63  }
0x101: {  	_ =	swait.ge [sflag:s20], $0x4000  }
0x102: {  	[sflag:s20] =	ssyncset.done $0x0  }
0x103: {  	[sflag:s20] =	ssyncadd.s32 $0xFFFFC000  }
0x104: {  	_ =	swait.ge [sflag:s31], $0x80  }
0x105: {  	s1 =	simm.s32 $0x27;
	[sflag:s31] =	ssyncset.done $0x0  }
.LBB2_10:
0x106: {  	p0 =	sne.s32 s1, $0x1;
	s1 =	sadd.s32 $0xFFFFFFFF, s1;
	[sflag:s31] =	ssyncadd.s32 $0xFFFFFF80  }
.Ltmp4:
0x107: {  	(pc) =	sbr.rel @p0 .LBB2_10-.Ltmp4, $3  }
0x108: {  	_ =	sdelay $0x1  }
0x109: {  	_ =	swait.ge [sflag:s31], $0x80  }
0x10a: {  	[sflag:s31] =	ssyncset.done $0x0  }
0x10b: {  	s1 =	stileid.u32  }
0x10c: {  	[sflag:s31] =	ssyncadd.s32 $0xFFFFFF80;
	s1 =	sshll.u32 s1, $0x6  }
0x10d: {  	s2 =	sshrl.u32 s6, $0x3;
	[bflag:$0x0] =	sbarrier.arrive $0xFFFF;
	s1 =	sor.u32 $0x1C04, s1  }
0x10e: {  	[hbm:s16], [sflag:s1] =	dma.local [spmem:s2], $0x2800  }
0x10f: {  	s5 =	sadd.s32 $0x1, s5;
	_ =	swait.ge [sflag:s20], $0x2800  }
0x110: {  	p0 =	sne.s32 s5, s18;
	[sflag:s20] =	ssyncset.done $0x0  }
.Ltmp5:
0x111: {  	s21 =	sshrl.u32 s11, $0x3;
	[sflag:s20] =	ssyncadd.s32 $0xFFFFD800;
	(pc) =	sbr.rel @p0 .LBB2_1-.Ltmp5, $4  }
0x112: {  	[hbm:s17], [sflag:s1] =	dma.local [spmem:s21], $0x50  }
0x113: {  	_ =	swait.ge [sflag:s20], $0x50  }
0x114: {  	[sflag:s20] =	ssyncset.done $0x0  }
0x115: {  	[sflag:s20] =	ssyncadd.s32 $0xFFFFFFB0  }
0x116: {  	_ =	sfence.sel $0x180000  }
0x117: {  	[bflag:$0x0] =	sbarrier.arrive $0xFFFF  }
0x118: {  	_ =	strace $0x90000047  }
0x119: {  	s0 =	stileid.u32;
	[bflag:$0x2] =	sbarrier.arrive $0xFFFF  }
0x11a: {  	p0 =	sne.s32 s0, $0x0;
	s0 =	rddreg [dreg:$0x5]  }
0x11b: {  	s0 =	sadd.s32 @!p0 $0x100000, s0  }
0x11c: {  	[sflag:s0] =	ssyncadd.tile.s32 @!p0 $0x1;
	_ =	shalt  }
.Lfunc_end2:
_tile_overlayer_lowered:
.L_overlay_start_2:
0x11d: {  	(tag) =	ssettag $0x2  }
0x11e: {  	s0 =	rddreg [dreg:$0x0];
	s2 =	stileid.u32  }
0x11f: {  	s1 =	rddreg [dreg:$0x1];
	p0 =	sne.s32 s2, $0x0  }
0x120: {  	s3 =	rddreg [dreg:$0x2];
	[bflag:$0x3] =	sbarrier.arrive $0xFFFF;
	s2 =	simm.s32 @!p0 $0x1C04  }
0x121: {  	[timem:s3], [sflag:s2] =	dma.local @!p0 [hbm:s0], s1  }
0x122: {  	s0 =	simm.s32 @!p0 $0x4  }
0x123: {  	_ =	swait.ge @!p0 [sflag:s0], s1  }
0x124: {  	s1 =	ssub.s32 @!p0 $0x0, s1;
	[sflag:s0] =	ssyncset.done @!p0 $0x0  }
0x125: {  	[sflag:s0] =	ssyncadd.s32 @!p0 s1  }
0x126: {  	[bflag:$0x3] =	sbarrier.arrive $0xFFFF  }
0x127: {  	_ =	shalt  }

// kernel: kernel.9.cloned.1.call-start
scs
__scs_entry_jumppad:
0x0: {  	(pc) =	sbr.rel $0x88, $3  }
0x1: {  	(tag) =	ssettag $0x0;
	lr =	simm.s32 $0x1  }
0x2: {  	[smem:$0x3F99] =	sst lr;
	_ =	strace $0xD0000000  }
0x3: {  	_ = 	snop  }
0x4: {  	_ = 	snop  }
0x5: {  	_ = 	snop  }
0x6: {  	_ = 	snop  }
0x7: {  	_ = 	snop  }
__scs_overlays_trampoline_lowered:
0x8: {  	[smem:$0x3FA8] =	sst s0  }
0x9: {  	[smem:$0x3FA9] =	sst s1  }
0xa: {  	[smem:$0x3FAA] =	sst s2  }
0xb: {  	[smem:$0x3FAB] =	sst s3  }
0xc: {  	[smem:$0x3FAC] =	sst s4  }
0xd: {  	[smem:$0x3FAD] =	sst s5  }
0xe: {  	[smem:$0x3FAE] =	sst s6  }
0xf: {  	[smem:$0x3FAF] =	sst s7  }
0x10: {  	[smem:$0x3FB0] =	sst s8  }
0x11: {  	[smem:$0x3FB1] =	sst s9;
	s0 =	simm.s32 @!p0 $0x0  }
0x12: {  	s1 =	sld [smem:$0x3F97];
	s0 =	simm.s32 @p0 $0x1  }
0x13: {  	[smem:$0x3FB2] =	sst s0;
	s0 =	simm.s32 @!p1 $0x0  }
0x14: {  	s2 =	sld [smem:$0x3F96];
	s0 =	simm.s32 @p1 $0x1  }
0x15: {  	[smem:$0x3FB3] =	sst s0;
	s0 =	simm.s32 @!p2 $0x0  }
0x16: {  	s3 =	sld [smem:$0x3FDB];
	s0 =	simm.s32 @p2 $0x1  }
0x17: {  	s4 =	simm.s32 $0x1BF5;
	[smem:$0x3FB5] =	sst s0  }
0x18: {  	s0 =	sld [smem:$0x3F98];
	_ =	swait.ge [sflag:s4], $0x0  }
0x19: {  	s7 =	sld [smem:$0x3F99]  }
0x1a: {  	s8 =	sadd.s32 $0xFFFFE003, lr  }
0x1b: {  	s9 =	sadd.s32 $0xFFFFFEF7, lr;
	s5 =	simm.s32 $0xFFFFFFFF;
	p2 =	slt.u32 s8, $0xFFFFF086  }
0x1c: {  	p1 =	slt.u32 s9, $0xF7A;
	s5 =	simm.s32 @!p2 $0x0  }
0x1d: {  	s5 =	simm.s32 @p1 $0x1;
	p0 =	seq.s32 s7, s2  }
0x1e: {  	s7 =	smul.u32 @!p0 $0xF7A, s2;
	p2 =	seq.s32 @!p0 s5, $0x0  }
0x1f: {  	s9 =	smul.u32 $0xF7A, s1;
	s8 =	simm.s32 @!p0 $0x1BF5;
	p2 =	por !p2, p0  }
0x20: {  	[sflag:s8] =	ssyncset.s32 @!p0 $0xFFFFF086;
	s6 =	sadd.s32 @!p0 s3, s7;
	s7 =	simm.s32 @!p0 $0x108  }
0x21: {  	s3 =	sadd.s32 s3, s9;
	s6 =	sadd.s32 @!p0 $0x88, s6;
	s7 =	simm.s32 @p2 $0x1082  }
0x22: {  	[simem:s7], [sflag:s8] =	dma.local @!p0 [hbm:s6], $0xF7A  }
0x23: {  	s9 =	sor.u32 $0xD0000000, s2;
	s6 =	simm.s32 $0x108;
	_ =	swait.ge @!p0 [sflag:s8], $0x0  }
0x24: {  	s3 =	sadd.s32 $0x88, s3;
	s6 =	simm.s32 @!p1 $0x1082;
	[sflag:s4] =	ssyncset.s32 $0xFFFFF086  }
0x25: {  	[simem:s6], [sflag:s4] =	dma.local [hbm:s3], $0xF7A  }
0x26: {  	[smem:$0x3F99] =	sst s1;
	(tag) =	ssettag s2;
	_ =	strace s9  }
0x27: {  	s1 =	sld [smem:$0x3FA9]  }
0x28: {  	s2 =	sld [smem:$0x3FAA]  }
0x29: {  	s4 =	sld [smem:$0x3FAC]  }
0x2a: {  	p0 =	seq.s32 s5, $0x0;
	s5 =	sld [smem:$0x3FAD]  }
0x2b: {  	s6 =	sld [smem:$0x3FAE]  }
0x2c: {  	s7 =	sld [smem:$0x3FAF]  }
0x2d: {  	s3 =	simm.s32 $0x108;
	s8 =	sld [smem:$0x3FB0]  }
0x2e: {  	s3 =	simm.s32 @!p0 $0x1082;
	s9 =	sld [smem:$0x3FB1]  }
0x2f: {  	lr =	sadd.s32 s0, s3;
	s0 =	sld [smem:$0x3FA8]  }
0x30: {  	s3 =	sld [smem:$0x3FAB]  }
0x31: {  	[smem:$0x3FB4] =	sst s10  }
0x32: {  	s10 =	sld [smem:$0x3FB2];
	_ =	sdelay $0x3  }
0x33: {  	p0 =	seq.s32 s10, $0x1;
	s10 =	sld [smem:$0x3FB4];
	_ =	sdelay $0x3  }
0x34: {  	[smem:$0x3FB4] =	sst s10  }
0x35: {  	s10 =	sld [smem:$0x3FB3];
	_ =	sdelay $0x3  }
0x36: {  	p1 =	seq.s32 s10, $0x1;
	s10 =	sld [smem:$0x3FB4];
	_ =	sdelay $0x3  }
0x37: {  	[smem:$0x3FB4] =	sst s10  }
0x38: {  	s10 =	sld [smem:$0x3FB5]  }
0x39: {  	_ = 	snop;
	(pc) =	sbr.ind lr, $3  }
0x3a: {  	_ = 	snop  }
0x3b: {  	_ = 	snop  }
0x3c: {  	p2 =	seq.s32 s10, $0x1;
	s10 =	sld [smem:$0x3FB4]  }
0x3d: {  	_ =	shalt  }
0x3e: {  	_ =	shalt  }
0x3f: {  	_ =	shalt  }
0x40: {  	_ =	shalt  }
0x41: {  	_ =	shalt  }
0x42: {  	_ =	shalt  }
0x43: {  	_ =	shalt  }
0x44: {  	_ =	shalt  }
0x45: {  	_ =	shalt  }
0x46: {  	_ =	shalt  }
0x47: {  	_ =	shalt  }
0x48: {  	_ =	shalt  }
0x49: {  	_ =	shalt  }
0x4a: {  	_ =	shalt  }
0x4b: {  	_ =	shalt  }
0x4c: {  	_ =	shalt  }
0x4d: {  	_ =	shalt  }
0x4e: {  	_ =	shalt  }
0x4f: {  	_ =	shalt  }
0x50: {  	_ =	shalt  }
0x51: {  	_ =	shalt  }
0x52: {  	_ =	shalt  }
0x53: {  	_ =	shalt  }
0x54: {  	_ =	shalt  }
0x55: {  	_ =	shalt  }
0x56: {  	_ =	shalt  }
0x57: {  	_ =	shalt  }
0x58: {  	_ =	shalt  }
0x59: {  	_ =	shalt  }
0x5a: {  	_ =	shalt  }
0x5b: {  	_ =	shalt  }
0x5c: {  	_ =	shalt  }
0x5d: {  	_ =	shalt  }
0x5e: {  	_ =	shalt  }
0x5f: {  	_ =	shalt  }
0x60: {  	_ =	shalt  }
0x61: {  	_ =	shalt  }
0x62: {  	_ =	shalt  }
0x63: {  	_ =	shalt  }
0x64: {  	_ =	shalt  }
0x65: {  	_ =	shalt  }
0x66: {  	_ =	shalt  }
0x67: {  	_ =	shalt  }
0x68: {  	_ =	shalt  }
0x69: {  	_ =	shalt  }
0x6a: {  	_ =	shalt  }
0x6b: {  	_ =	shalt  }
0x6c: {  	_ =	shalt  }
0x6d: {  	_ =	shalt  }
0x6e: {  	_ =	shalt  }
0x6f: {  	_ =	shalt  }
0x70: {  	_ =	shalt  }
0x71: {  	_ =	shalt  }
0x72: {  	_ =	shalt  }
0x73: {  	_ =	shalt  }
0x74: {  	_ =	shalt  }
0x75: {  	_ =	shalt  }
0x76: {  	_ =	shalt  }
0x77: {  	_ =	shalt  }
0x78: {  	_ =	shalt  }
0x79: {  	_ =	shalt  }
0x7a: {  	_ =	shalt  }
0x7b: {  	_ =	shalt  }
0x7c: {  	_ =	shalt  }
0x7d: {  	_ =	shalt  }
0x7e: {  	_ =	shalt  }
0x7f: {  	_ =	shalt  }
0x80: {  	_ =	shalt  }
0x81: {  	_ =	shalt  }
0x82: {  	_ =	shalt  }
0x83: {  	_ =	shalt  }
0x84: {  	_ =	shalt  }
0x85: {  	_ =	shalt  }
0x86: {  	_ =	shalt  }
0x87: {  	_ =	shalt  }
.Lfunc_end0:
.L_simem_size_0:
called_computation.1_lowered:
.L_overlay_start_0:
0x88: {  	s2 =	sld [smem:$0x3FD9]  }
0x89: {  	s3 =	sld [smem:$0x3FFE];
	_ =	sdelay $0x1  }
0x8a: {  	s1 =	srdreg.scid  }
0x8b: {  	s0 =	sand.u32 $0x1, s1  }
0x8c: {  	s17 =	sshll.u32 s0, $0xA;
	s2 =	sadd.s32 s3, s2  }
0x8d: {  	s2 =	sadd.s32 s2, s17  }
0x8e: {  	[smem:$0x3FC0] =	sst s2  }
0x8f: {  	_ = 	snop  }
0x90: {  	s2 =	sld [smem:$0x3FD0];
	(tm) =	ssettm $0x1  }
0x91: {  	s18 =	sld [smem:$0x3FFB];
	_ =	sdelay $0x3  }
0x92: {  	_ =	strace s18  }
0x93: {  	s3 =	sld [smem:$0x3FFC];
	_ =	sdelay $0x3  }
0x94: {  	_ =	strace s3  }
0x95: {  	s3 =	sld [smem:$0x3FFD];
	_ =	sdelay $0x3  }
0x96: {  	_ =	strace s3  }
0x97: {  	_ =	strace $0x8FFFFFFF  }
0x98: {  	s19 =	sld [smem:$0x3FDB];
	_ =	sdelay $0x1  }
0x99: {  	s4 =	simm.s32 $_scs_section_size  }
0x9a: {  	s5 =	simm.s32 $_size__tile_overlayer_lowered;
	s6 =	simm.s32 $_tile_overlayer_lowered  }
0x9b: {  	s22 =	simm.s32 $0x1BFF;
	s21 =	sshll.u32 s6, $0x1;
	s3 =	sadd.s32 s4, s19  }
0x9c: {  	s7 =	simm.s32 $0x0;
	s20 =	sshll.u32 s5, $0x1;
	s5 =	sadd.s32 s21, s3  }
0x9d: {  	[timem:s7], [sflag:s22] =	dma.local [hbm:s5], s20  }
0x9e: {  	_ =	swait.ge [sflag:s22], s20  }
0x9f: {  	s4 =	ssub.s32 $0x0, s20;
	[sflag:s22] =	ssyncset.done $0x0  }
0xa0: {  	[sflag:s22] =	ssyncadd.s32 s4;
	_ =	sdelay $0x1  }
0xa1: {  	s23 =	simm.s32 $0x1B8B  }
0xa2: {  	_ =	swait.ge [sflag:s23], $0x1  }
0xa3: {  	[sflag:s23] =	ssyncset.done $0x0  }
0xa4: {  	s25 =	simm.s32 $0x1B8E;
	s24 =	sld [smem:$0x3FFE];
	[sflag:s23] =	ssyncadd.s32 $0xFFFFFFFF  }
0xa5: {  	s26 =	simm.s32 $execute0_lowered;
	[smem:$0x3FD2] =	sst s25  }
0xa6: {  	s5 =	sshll.u32 s26, $0x1;
	_ =	strace $0x80000049;
	[dreg:$0x1] =	wrdreg $0xFFFFFFFF  }
0xa7: {  	s28 =	simm.s32 $_size_execute0_lowered;
	s3 =	sadd.s32 s3, s5;
	[dreg:$0x0] =	wrdreg $0x0  }
0xa8: {  	s5 =	sshll.u32 s28, $0x1;
	[dreg:$0x2] =	wrdreg s3  }
0xa9: {  	[dreg:$0x3] =	wrdreg s5  }
0xaa: {  	[dreg:$0x4] =	wrdreg $0xC0  }
0xab: {  	_ =	task [dreg:s7], $0x5FFFF  }
0xac: {  	[dreg:$0x1] =	wrdreg $0xFFFFFFFF  }
0xad: {  	[dreg:$0x0] =	wrdreg $0x60  }
0xae: {  	[dreg:$0x2] =	wrdreg s2  }
0xaf: {  	[dreg:$0x3] =	wrdreg s24  }
0xb0: {  	[dreg:$0x4] =	wrdreg $0xA8000  }
0xb1: {  	[dreg:$0x5] =	wrdreg $0x9  }
0xb2: {  	_ =	task.clear_ibuf [dreg:s7], $0x6FFFF;
	_ =	strace $0x90000049  }
0xb3: {  	s29 =	simm.s32 $0x9;
	_ =	strace $0x8000004B  }
0xb4: {  	_ =	swait.ge [sflag:s29], $0x1  }
0xb5: {  	[sflag:s29] =	ssyncadd.s32 $0xFFFFFFFF  }
0xb6: {  	_ =	strace $0x9000004B  }
0xb7: {  	_ =	sfence  }
0xb8: {  	s30 =	sld [smem:$0x0];
	_ =	sdelay $0x2  }
0xb9: {  	s31 =	sshll.u32 s1, $0xD;
	s1 =	sshrl.u32 s1, $0x2  }
0xba: {  	s3 =	sand.u32 $0x4000, s31;
	s1 =	sadd.s32 s1, s30  }
0xbb: {  	s0 =	sor.u32 s3, s0;
	s1 =	sshll.u32 s1, $0x11  }
0xbc: {  	s0 =	sor.u32 s1, s0  }
0xbd: {  	s0 =	sadd.s32 $0x8F2B, s0  }
0xbe: {  	[sflag:s0] =	ssyncadd.remote.s32 $0x1  }
0xbf: {  	_ =	sfence.sel $0xFFFF  }
0xc0: {  	[dreg:$0x0] =	wrdreg $0xFFFFFFFF;
	(pc) =	sbr.abs _section_cstart, $3  }
0xc1: {  	[dreg:$0x1] =	wrdreg $0xFFFFFFFF  }
0xc2: {  	_ =	task.clear_ibuf [dreg:s7], $0x2FFFF;
	_ =	strace $0x9FFFFFFF  }
0xc3: {  	(tm) =	ssettm $0x7FFFFFFF  }
tec
execute0_lowered:
.L_overlay_start_1:
0x0: {  	(tag) =	ssettag $0x1  }
0x1: {  	s1 =	rddreg [dreg:$0x0]  }
0x2: {  	s5 =	rddreg [dreg:$0x1]  }
0x3: {  	s2 =	rddreg [dreg:$0x2]  }
0x4: {  	s3 =	srdreg.scid;
	s0 =	rddreg [dreg:$0x3]  }
0x5: {  	s4 =	simm.s32 $0x0;
	s17 =	simm.s32 $0x3;
	s18 =	simm.s32 $0x1400  }
0x6: {  	s19 =	simm.s32 $0x80;
	s20 =	simm.s32 $0x6800;
	s21 =	simm.s32 $0x1  }
0x7: {  	s22 =	simm.s32 $0x2;
	s23 =	simm.s32 $0x2700;
	s6 =	sand.u32 $0x1, s3  }
0x8: {  	s24 =	simm.s32 $0x2780;
	s3 =	stileid.u32;
	s7 =	smul.u32 $0x140000, s6  }
0x9: {  	[smem:$0x7FF] =	sst s4;
	s12 =	sadd.s32 $0x2200, s5;
	s8 =	smul.u32 $0x14000, s3  }
0xa: {  	s31 =	sshll.u32 s6, $0x4;
	s9 =	smul.u32 $0x50000, s3;
	s6 =	ssub.s32 $0x2, s6  }
0xb: {  	s13 =	sadd.s32 $0xC200, s5;
	_ =	strace $0x8000004A;
	s10 =	sshrl.u32 s6, $0x1  }
0xc: {  	s7 =	sadd.s32 s8, s7;
	s8 =	sor.u32 s3, s31;
	s9 =	sshrl.u32 s9, $0x2  }
0xd: {  	s15 =	ssub.s32 s6, s10;
	s7 =	sshrl.u32 s7, $0x3;
	s8 =	smul.u32 $0x2800, s8  }
0xe: {  	s15 =	smax.u32 s15, $0x1;
	s14 =	sadd.s32 s7, s5;
	s5 =	sadd.s32 s9, s2  }
0xf: {  	s6 =	sadd.s32 $0x4000, s5;
	s7 =	sadd.s32 $0x8000, s5;
	s11 =	sshrl.u32 s8, $0x3  }
0x10: {  	s8 =	sadd.s32 $0xC000, s5;
	s9 =	sadd.s32 $0x10000, s5;
	s14 =	sadd.s32 $0x16200, s14  }
0x11: {  	s16 =	sadd.s32 $0x280, s11;
	s10 =	sadd.s32 s12, s11;
	s11 =	sadd.s32 s13, s11  }
0x12: {  	v0 =	vimm.f32 $0.0e+00;
	s12 =	sadd.s32 s12, s16;
	s13 =	sadd.s32 s13, s16;
	s16 =	simm.s32 $0x2800  }
.LBB2_1:
0x13: {  	s25 =	simm.s32 $0x0;
	s26 =	simm.s32 $0x200  }
.LBB2_2:
0x14: {  	p0 =	sne.s32 s26, $0xFE00;
	[tilespmem:s25+$0x2870] =	vst v0  }
0x15: {  	[tilespmem:s25+$0x2800] =	vst v0  }
0x16: {  	[tilespmem:s25+$0x2810] =	vst v0  }
.Ltmp0:
0x17: {  	[tilespmem:s25+$0x2820] =	vst v0;
	(pc) =	sbr.rel @p0 .LBB2_2-.Ltmp0, $4  }
0x18: {  	[tilespmem:s25+$0x2830] =	vst v0  }
0x19: {  	[tilespmem:s25+$0x2840] =	vst v0  }
0x1a: {  	[tilespmem:s25+$0x2850] =	vst v0  }
0x1b: {  	[tilespmem:s25+$0x2860] =	vst v0;
	s25 =	sshra.s32 s26, $0x2;
	s26 =	sadd.s32 $0x200, s26  }
0x1c: {  	[tilespmem:s25+$0x2870] =	vst v0  }
0x1d: {  	[tilespmem:s25+$0x2800] =	vst v0  }
0x1e: {  	[tilespmem:s25+$0x2810] =	vst v0  }
0x1f: {  	[tilespmem:s25+$0x2820] =	vst v0  }
0x20: {  	[tilespmem:s25+$0x2830] =	vst v0  }
0x21: {  	[tilespmem:s25+$0x2840] =	vst v0  }
0x22: {  	[tilespmem:s25+$0x2850] =	vst v0  }
0x23: {  	[tilespmem:s25+$0x2860] =	vst v0  }
0x24: {  	[spmem:s5] =	stream.linear.scatter [tilespmem:s16], [sflag:$0x3], $0x4000, $0x38;
	[tilespmem:$0x1E800] =	vst v63  }
0x25: {  	_ =	swait.ge [sflag:s17], $0x4000  }
0x26: {  	[sflag:s17] =	ssyncset.done $0x0  }
0x27: {  	[sflag:s17] =	ssyncadd.s32 $0xFFFFC000  }
0x28: {  	[spmem:s6] =	stream.linear.scatter [tilespmem:s16], [sflag:$0x3], $0x4000, $0x38;
	[tilespmem:$0x1E800] =	vst v63  }
0x29: {  	_ =	swait.ge [sflag:s17], $0x4000  }
0x2a: {  	[sflag:s17] =	ssyncset.done $0x0  }
0x2b: {  	[sflag:s17] =	ssyncadd.s32 $0xFFFFC000  }
0x2c: {  	[spmem:s7] =	stream.linear.scatter [tilespmem:s16], [sflag:$0x3], $0x4000, $0x38;
	[tilespmem:$0x1E800] =	vst v63  }
0x2d: {  	_ =	swait.ge [sflag:s17], $0x4000  }
0x2e: {  	[sflag:s17] =	ssyncset.done $0x0  }
0x2f: {  	[sflag:s17] =	ssyncadd.s32 $0xFFFFC000  }
0x30: {  	[spmem:s8] =	stream.linear.scatter [tilespmem:s16], [sflag:$0x3], $0x4000, $0x38;
	[tilespmem:$0x1E800] =	vst v63  }
0x31: {  	_ =	swait.ge [sflag:s17], $0x4000  }
0x32: {  	[sflag:s17] =	ssyncset.done $0x0  }
0x33: {  	[sflag:s17] =	ssyncadd.s32 $0xFFFFC000  }
0x34: {  	[spmem:s9] =	stream.linear.scatter [tilespmem:s16], [sflag:$0x3], $0x4000, $0x38;
	[tilespmem:$0x1E800] =	vst v63  }
0x35: {  	_ =	swait.ge [sflag:s17], $0x4000  }
0x36: {  	[sflag:s17] =	ssyncset.done $0x0  }
0x37: {  	[sflag:s17] =	ssyncadd.s32 $0xFFFFC000  }
0x38: {  	s28 =	simm.s32 $0x0;
	[bflag:$0x0] =	sbarrier.arrive $0xFFFF  }
0x39: {  	[tilespmem:s28], [sflag:$0x3] =	stream.linear.gather [hbm4b:s10+s28], $0x1400, $0x38;
	[tilespmem:$0x1E800] =	vst v63  }
0x3a: {  	_ =	swait.ge [sflag:s17], $0x1400  }
0x3b: {  	[sflag:s17] =	ssyncset.done $0x0  }
0x3c: {  	[sflag:s17] =	ssyncadd.s32 $0xFFFFEC00  }
0x3d: {  	[tilespmem:s18], [sflag:$0x3] =	stream.linear.gather [hbm4b:s11+s28], $0x1400, $0x38;
	[tilespmem:$0x1E800] =	vst v63  }
0x3e: {  	_ =	swait.ge [sflag:s17], $0x1400  }
0x3f: {  	[sflag:s17] =	ssyncset.done $0x0  }
0x40: {  	[sflag:s17] =	ssyncadd.s32 $0xFFFFEC00  }
0x41: {  	[tilespmem:s16], [sflag:$0x1] =	stream.indirect.gather [hbm4b:s1+s19], $0x80, s28, s19, $0xb8;
	[tilespmem:$0x1E800] =	vst v63  }
0x42: {  	_ = 	snop  }
0x43: {  	[tilespmem:s20], [sflag:$0x2] =	stream.indirect.gather [hbm4b:s1+s19], $0x80, s19, s19, $0xb8;
	[tilespmem:$0x1E800] =	vst v63  }
0x44: {  	_ =	swait.ge [sflag:s21], $0x4000  }
0x45: {  	[sflag:s21] =	ssyncset.done $0x0  }
0x46: {  	s29 =	simm.s32 $0x1400;
	[sflag:s21] =	ssyncadd.s32 $0xFFFFC000  }
0x47: {  	[spmem:s2] =	stream.indirect.scatter.add.f32 [tilespmem:s16], [sflag:$0x3], $0x80, s29, s19, $0xb8;
	[tilespmem:$0x1E800] =	vst v63  }
0x48: {  	_ =	swait.ge [sflag:s17], $0x4000  }
0x49: {  	[sflag:s17] =	ssyncset.done $0x0  }
0x4a: {  	s30 =	simm.s32 $0x100;
	[sflag:s17] =	ssyncadd.s32 $0xFFFFC000  }
0x4b: {  	[tilespmem:s16], [sflag:$0x1] =	stream.indirect.gather [hbm4b:s1+s19], $0x80, s30, s19, $0xb8;
	[tilespmem:$0x1E800] =	vst v63  }
0x4c: {  	_ =	swait.ge [sflag:s22], $0x4000  }
0x4d: {  	[sflag:s22] =	ssyncset.done $0x0  }
0x4e: {  	s31 =	simm.s32 $0x1480;
	[sflag:s22] =	ssyncadd.s32 $0xFFFFC000  }
0x4f: {  	[spmem:s2] =	stream.indirect.scatter.add.f32 [tilespmem:s20], [sflag:$0x3], $0x80, s31, s19, $0xb8;
	[tilespmem:$0x1E800] =	vst v63  }
0x50: {  	_ =	swait.ge [sflag:s17], $0x4000  }
0x51: {  	[sflag:s17] =	ssyncset.done $0x0  }
0x52: {  	s25 =	simm.s32 $0x400;
	s26 =	simm.s32 $0x180;
	[sflag:s17] =	ssyncadd.s32 $0xFFFFC000  }
.LBB2_4:
0x53: {  	[tilespmem:s20], [sflag:$0x2] =	stream.indirect.gather [hbm4b:s1+s19], $0x80, s26, s19, $0xb8;
	[tilespmem:$0x1E800] =	vst v63  }
0x54: {  	s26 =	smov.u32 s25  }
0x55: {  	p0 =	sne.s32 s25, $0x4800;
	s25 =	sadd.s32 $0x400, s25;
	_ =	swait.ge [sflag:s21], $0x4000  }
0x56: {  	s26 =	sshra.s32 s26, $0x2;
	[sflag:s21] =	ssyncset.done $0x0  }
0x57: {  	s28 =	sadd.s32 $0x1400, s26;
	[sflag:s21] =	ssyncadd.s32 $0xFFFFC000  }
0x58: {  	[spmem:s2] =	stream.indirect.scatter.add.f32 [tilespmem:s16], [sflag:$0x3], $0x80, s28, s19, $0xb8;
	[tilespmem:$0x1E800] =	vst v63  }
0x59: {  	_ =	swait.ge [sflag:s17], $0x4000  }
0x5a: {  	[sflag:s17] =	ssyncset.done $0x0  }
0x5b: {  	s28 =	sadd.s32 $0x100, s26;
	[sflag:s17] =	ssyncadd.s32 $0xFFFFC000  }
0x5c: {  	[tilespmem:s16], [sflag:$0x1] =	stream.indirect.gather [hbm4b:s1+s19], $0x80, s28, s19, $0xb8;
	[tilespmem:$0x1E800] =	vst v63  }
0x5d: {  	_ =	swait.ge [sflag:s22], $0x4000  }
0x5e: {  	[sflag:s22] =	ssyncset.done $0x0  }
.Ltmp1:
0x5f: {  	s28 =	sadd.s32 $0x1480, s26;
	[sflag:s22] =	ssyncadd.s32 $0xFFFFC000;
	(pc) =	sbr.rel @p0 .LBB2_4-.Ltmp1, $4  }
0x60: {  	[spmem:s2] =	stream.indirect.scatter.add.f32 [tilespmem:s20], [sflag:$0x3], $0x80, s28, s19, $0xb8;
	[tilespmem:$0x1E800] =	vst v63  }
0x61: {  	_ =	swait.ge [sflag:s17], $0x4000  }
0x62: {  	[sflag:s17] =	ssyncset.done $0x0  }
0x63: {  	s26 =	sadd.s32 $0x180, s26;
	[sflag:s17] =	ssyncadd.s32 $0xFFFFC000  }
0x64: {  	[tilespmem:s20], [sflag:$0x2] =	stream.indirect.gather [hbm4b:s1+s19], $0x80, s26, s19, $0xb8;
	[tilespmem:$0x1E800] =	vst v63  }
0x65: {  	_ =	swait.ge [sflag:s21], $0x4000  }
0x66: {  	[sflag:s21] =	ssyncset.done $0x0  }
0x67: {  	[sflag:s21] =	ssyncadd.s32 $0xFFFFC000  }
0x68: {  	[spmem:s2] =	stream.indirect.scatter.add.f32 [tilespmem:s16], [sflag:$0x3], $0x80, s23, s19, $0xb8;
	[tilespmem:$0x1E800] =	vst v63  }
0x69: {  	_ =	swait.ge [sflag:s17], $0x4000  }
0x6a: {  	[sflag:s17] =	ssyncset.done $0x0  }
0x6b: {  	[sflag:s17] =	ssyncadd.s32 $0xFFFFC000  }
0x6c: {  	_ =	swait.ge [sflag:s22], $0x4000  }
0x6d: {  	[sflag:s22] =	ssyncset.done $0x0  }
0x6e: {  	[sflag:s22] =	ssyncadd.s32 $0xFFFFC000  }
0x6f: {  	[spmem:s2] =	stream.indirect.scatter.add.f32 [tilespmem:s20], [sflag:$0x3], $0x80, s24, s19, $0xb8;
	[tilespmem:$0x1E800] =	vst v63  }
0x70: {  	_ =	swait.ge [sflag:s17], $0x4000  }
0x71: {  	[sflag:s17] =	ssyncset.done $0x0  }
0x72: {  	s25 =	simm.s32 $0x0;
	[sflag:s17] =	ssyncadd.s32 $0xFFFFC000  }
0x73: {  	[tilespmem:s25], [sflag:$0x3] =	stream.linear.gather [hbm4b:s12+s25], $0x1400, $0x38;
	[tilespmem:$0x1E800] =	vst v63  }
0x74: {  	_ =	swait.ge [sflag:s17], $0x1400  }
0x75: {  	[sflag:s17] =	ssyncset.done $0x0  }
0x76: {  	[sflag:s17] =	ssyncadd.s32 $0xFFFFEC00  }
0x77: {  	[tilespmem:s18], [sflag:$0x3] =	stream.linear.gather [hbm4b:s13+s25], $0x1400, $0x38;
	[tilespmem:$0x1E800] =	vst v63  }
0x78: {  	_ =	swait.ge [sflag:s17], $0x1400  }
0x79: {  	[sflag:s17] =	ssyncset.done $0x0  }
0x7a: {  	[sflag:s17] =	ssyncadd.s32 $0xFFFFEC00  }
0x7b: {  	[tilespmem:s16], [sflag:$0x1] =	stream.indirect.gather [hbm4b:s1+s19], $0x80, s25, s19, $0xb8;
	[tilespmem:$0x1E800] =	vst v63  }
0x7c: {  	_ = 	snop  }
0x7d: {  	[tilespmem:s20], [sflag:$0x2] =	stream.indirect.gather [hbm4b:s1+s19], $0x80, s19, s19, $0xb8;
	[tilespmem:$0x1E800] =	vst v63  }
0x7e: {  	_ =	swait.ge [sflag:s21], $0x4000  }
0x7f: {  	[sflag:s21] =	ssyncset.done $0x0  }
0x80: {  	s29 =	simm.s32 $0x1400;
	[sflag:s21] =	ssyncadd.s32 $0xFFFFC000  }
0x81: {  	[spmem:s2] =	stream.indirect.scatter.add.f32 [tilespmem:s16], [sflag:$0x3], $0x80, s29, s19, $0xb8;
	[tilespmem:$0x1E800] =	vst v63  }
0x82: {  	_ =	swait.ge [sflag:s17], $0x4000  }
0x83: {  	[sflag:s17] =	ssyncset.done $0x0  }
0x84: {  	s30 =	simm.s32 $0x100;
	[sflag:s17] =	ssyncadd.s32 $0xFFFFC000  }
0x85: {  	[tilespmem:s16], [sflag:$0x1] =	stream.indirect.gather [hbm4b:s1+s19], $0x80, s30, s19, $0xb8;
	[tilespmem:$0x1E800] =	vst v63  }
0x86: {  	_ =	swait.ge [sflag:s22], $0x4000  }
0x87: {  	[sflag:s22] =	ssyncset.done $0x0  }
0x88: {  	s31 =	simm.s32 $0x1480;
	[sflag:s22] =	ssyncadd.s32 $0xFFFFC000  }
0x89: {  	[spmem:s2] =	stream.indirect.scatter.add.f32 [tilespmem:s20], [sflag:$0x3], $0x80, s31, s19, $0xb8;
	[tilespmem:$0x1E800] =	vst v63  }
0x8a: {  	_ =	swait.ge [sflag:s17], $0x4000  }
0x8b: {  	[sflag:s17] =	ssyncset.done $0x0  }
0x8c: {  	s26 =	simm.s32 $0x180;
	s25 =	simm.s32 $0x400;
	[sflag:s17] =	ssyncadd.s32 $0xFFFFC000  }
.LBB2_6:
0x8d: {  	[tilespmem:s20], [sflag:$0x2] =	stream.indirect.gather [hbm4b:s1+s19], $0x80, s26, s19, $0xb8;
	[tilespmem:$0x1E800] =	vst v63  }
0x8e: {  	s26 =	smov.u32 s25  }
0x8f: {  	p0 =	sne.s32 s25, $0x4800;
	s25 =	sadd.s32 $0x400, s25;
	_ =	swait.ge [sflag:s21], $0x4000  }
0x90: {  	s26 =	sshra.s32 s26, $0x2;
	[sflag:s21] =	ssyncset.done $0x0  }
0x91: {  	s28 =	sadd.s32 $0x1400, s26;
	[sflag:s21] =	ssyncadd.s32 $0xFFFFC000  }
0x92: {  	[spmem:s2] =	stream.indirect.scatter.add.f32 [tilespmem:s16], [sflag:$0x3], $0x80, s28, s19, $0xb8;
	[tilespmem:$0x1E800] =	vst v63  }
0x93: {  	_ =	swait.ge [sflag:s17], $0x4000  }
0x94: {  	[sflag:s17] =	ssyncset.done $0x0  }
0x95: {  	s28 =	sadd.s32 $0x100, s26;
	[sflag:s17] =	ssyncadd.s32 $0xFFFFC000  }
0x96: {  	[tilespmem:s16], [sflag:$0x1] =	stream.indirect.gather [hbm4b:s1+s19], $0x80, s28, s19, $0xb8;
	[tilespmem:$0x1E800] =	vst v63  }
0x97: {  	_ =	swait.ge [sflag:s22], $0x4000  }
0x98: {  	[sflag:s22] =	ssyncset.done $0x0  }
.Ltmp2:
0x99: {  	s28 =	sadd.s32 $0x1480, s26;
	[sflag:s22] =	ssyncadd.s32 $0xFFFFC000;
	(pc) =	sbr.rel @p0 .LBB2_6-.Ltmp2, $4  }
0x9a: {  	[spmem:s2] =	stream.indirect.scatter.add.f32 [tilespmem:s20], [sflag:$0x3], $0x80, s28, s19, $0xb8;
	[tilespmem:$0x1E800] =	vst v63  }
0x9b: {  	_ =	swait.ge [sflag:s17], $0x4000  }
0x9c: {  	[sflag:s17] =	ssyncset.done $0x0  }
0x9d: {  	s26 =	sadd.s32 $0x180, s26;
	[sflag:s17] =	ssyncadd.s32 $0xFFFFC000  }
0x9e: {  	[tilespmem:s20], [sflag:$0x2] =	stream.indirect.gather [hbm4b:s1+s19], $0x80, s26, s19, $0xb8;
	[tilespmem:$0x1E800] =	vst v63  }
0x9f: {  	_ =	swait.ge [sflag:s21], $0x4000  }
0xa0: {  	[sflag:s21] =	ssyncset.done $0x0  }
0xa1: {  	[sflag:s21] =	ssyncadd.s32 $0xFFFFC000  }
0xa2: {  	[spmem:s2] =	stream.indirect.scatter.add.f32 [tilespmem:s16], [sflag:$0x3], $0x80, s23, s19, $0xb8;
	[tilespmem:$0x1E800] =	vst v63  }
0xa3: {  	_ =	swait.ge [sflag:s17], $0x4000  }
0xa4: {  	[sflag:s17] =	ssyncset.done $0x0  }
0xa5: {  	[sflag:s17] =	ssyncadd.s32 $0xFFFFC000  }
0xa6: {  	_ =	swait.ge [sflag:s22], $0x4000  }
0xa7: {  	[sflag:s22] =	ssyncset.done $0x0  }
0xa8: {  	[sflag:s22] =	ssyncadd.s32 $0xFFFFC000  }
0xa9: {  	[spmem:s2] =	stream.indirect.scatter.add.f32 [tilespmem:s20], [sflag:$0x3], $0x80, s24, s19, $0xb8;
	[tilespmem:$0x1E800] =	vst v63  }
0xaa: {  	_ =	swait.ge [sflag:s17], $0x4000  }
0xab: {  	s25 =	sshll.u32 s3, $0x6;
	s4 =	sadd.s32 $0x1, s4;
	[sflag:s17] =	ssyncset.done $0x0  }
0xac: {  	s31 =	sshrl.u32 s5, $0x3;
	p0 =	sne.s32 s4, s15;
	[sflag:s17] =	ssyncadd.s32 $0xFFFFC000  }
.Ltmp3:
0xad: {  	s25 =	sor.u32 $0x1C03, s25;
	[bflag:$0x0] =	sbarrier.arrive $0xFFFF;
	(pc) =	sbr.rel @p0 .LBB2_1-.Ltmp3, $4  }
0xae: {  	[hbm:s14], [sflag:s25] =	dma.local [spmem:s31], $0x2800  }
0xaf: {  	_ =	swait.ge [sflag:s17], $0x2800  }
0xb0: {  	[sflag:s17] =	ssyncset.done $0x0  }
0xb1: {  	[sflag:s17] =	ssyncadd.s32 $0xFFFFD800  }
0xb2: {  	_ =	sfence.sel $0x180000  }
0xb3: {  	[bflag:$0x0] =	sbarrier.arrive $0xFFFF  }
0xb4: {  	p0 =	sne.s32 s3, $0x0;
	_ =	strace $0x9000004A  }
0xb5: {  	s0 =	sadd.s32 @!p0 $0x100000, s0;
	[bflag:$0x2] =	sbarrier.arrive $0xFFFF  }
0xb6: {  	[sflag:s0] =	ssyncadd.tile.s32 @!p0 $0x1;
	_ =	shalt  }
.Lfunc_end2:
_tile_overlayer_lowered:
.L_overlay_start_2:
0xb7: {  	(tag) =	ssettag $0x2  }
0xb8: {  	s0 =	rddreg [dreg:$0x0];
	s2 =	stileid.u32  }
0xb9: {  	s1 =	rddreg [dreg:$0x1];
	p0 =	sne.s32 s2, $0x0  }
0xba: {  	s3 =	rddreg [dreg:$0x2];
	[bflag:$0x3] =	sbarrier.arrive $0xFFFF;
	s2 =	simm.s32 @!p0 $0x1C03  }
0xbb: {  	[timem:s3], [sflag:s2] =	dma.local @!p0 [hbm:s0], s1  }
0xbc: {  	s0 =	simm.s32 @!p0 $0x3  }
0xbd: {  	_ =	swait.ge @!p0 [sflag:s0], s1  }
0xbe: {  	s1 =	ssub.s32 @!p0 $0x0, s1;
	[sflag:s0] =	ssyncset.done @!p0 $0x0  }
0xbf: {  	[sflag:s0] =	ssyncadd.s32 @!p0 s1  }
0xc0: {  	[bflag:$0x3] =	sbarrier.arrive $0xFFFF  }
0xc1: {  	_ =	shalt  }

</sc_bundles>
